<compile_context>
chip_gen: v7x
topology: tpu7x:2x2x1
jax: 0.10.2.dev20260603
libtpu: 0.0.44.dev20260713+nightly
codegen_flags: <defaults>
</compile_context>

<pallas_src>
import functools

import jax
import jax.numpy as jnp
from jax import lax
from jax.experimental import pallas as pl
from jax.experimental.pallas import tpu as pltpu
from jax.experimental.pallas import tpu_sc as plsc

NC = 2
NS = 16
NW = NC * NS

DIM = 32
IDX_W = 128
GROUP = 5
NBUF = 4


def _make_gather(n_total: int):
  rows_per_w = n_total // NW
  idx_rows_w = rows_per_w // IDX_W
  n_trips = idx_rows_w // GROUP
  chunk = GROUP * IDX_W
  assert n_trips % NBUF == 0 and n_trips >= 2 * NBUF

  mesh = plsc.VectorSubcoreMesh(
      core_axis_name="c", subcore_axis_name="s", num_cores=NC,
      num_subcores=NS)

  @functools.partial(
      pl.kernel,
      out_type=jax.ShapeDtypeStruct((n_total, DIM), jnp.float32),
      mesh=mesh,
      scratch_types=[
          pltpu.VMEM((idx_rows_w, IDX_W), jnp.int32),
          [pltpu.VMEM((chunk, DIM), jnp.float32) for _ in range(NBUF)],
          [pltpu.SemaphoreType.DMA for _ in range(NBUF)],
          [pltpu.SemaphoreType.DMA for _ in range(NBUF)],
      ],
      compiler_params=pltpu.CompilerParams(use_tc_tiling_on_sc=False),
  )
  def gather_kernel(table_hbm, idx_hbm, out_hbm, idx_v, bufs, sg, sw):
    wid = lax.axis_index("s") * NC + lax.axis_index("c")
    idx_row_base = wid * idx_rows_w
    out_base = wid * rows_per_w

    pltpu.sync_copy(idx_hbm.at[pl.ds(idx_row_base, idx_rows_w)], idx_v)

    def issue_g(t, s):
      for g in range(GROUP):
        pltpu.async_copy(
            table_hbm.at[idx_v.at[t * GROUP + g]],
            bufs[s].at[pl.ds(g * IDX_W, IDX_W)],
            sg[s],
        )

    def wait_g(s):
      pltpu.make_async_copy(
          table_hbm.at[pl.ds(0, chunk)], bufs[s], sg[s]).wait()

    def issue_w(t, s):
      pltpu.async_copy(
          bufs[s], out_hbm.at[pl.ds(out_base + t * chunk, chunk)], sw[s])

    def wait_w(s):
      pltpu.make_async_copy(
          bufs[s], out_hbm.at[pl.ds(0, chunk)], sw[s]).wait()

    for s in range(NBUF):
      issue_g(s, s)
      if s >= 1:
        wait_g(s - 1)
        issue_w(s - 1, s - 1)

    def outer(o_idx, _):
      o = o_idx * NBUF
      for s in range(NBUF):
        t = o + s
        wait_w(s)
        issue_g(t, s)
        ps = (s - 1) % NBUF
        wait_g(ps)
        issue_w(t - 1, ps)
      return _

    lax.fori_loop(1, n_trips // NBUF, outer, None)

    wait_g(NBUF - 1)
    issue_w(n_trips - 1, NBUF - 1)
    for s in range(NBUF):
      wait_w(s)

  return gather_kernel


def kernel(x, table):
  b, l = x.shape
  n_total = b * l
  idx_t = jnp.swapaxes(x, 0, 1).reshape(n_total // IDX_W, IDX_W)
  gathered = _make_gather(n_total)(table, idx_t)
  return jnp.transpose(gathered.reshape(l, b, DIM), (1, 0, 2))

# --- scband reference (transcript-rebuilt; emitter-appended) ---
"""Pipeline reference for scband-std-embedding-37787122270286 (READ-ONLY COPY).

The authoritative reference and input builder live on the scoring server;
editing this copy changes nothing except your own understanding.
"""

import jax, jax.numpy as jnp
import numpy as np

VOCAB = 1000000
DIM = 32
B = 4096
L = 200


def setup_inputs(seed: int = 0) -> dict:
    key = jax.random.key(seed)
    k1, k2 = jax.random.split(key)
    x = jax.random.randint(k1, (B, L), 0, VOCAB, dtype=jnp.int32)
    table = jax.random.normal(k2, (VOCAB, DIM), dtype=jnp.float32) * 0.02
    return {"x": x, "table": table}


def reference(x, table):
    # StdEmbedding forward with p_drop=0 and add_pos_emb=False:
    #   Lambda(x.long()) -> nn.Embedding lookup -> Dropout(p=0) (identity)
    emb = jnp.take(table, x, axis=0)
    return emb

if __name__ == "__main__":
    import jax
    _d = setup_inputs()
    print(jax.jit(kernel)(*tuple(_d.values())))

</pallas_src>

<mosaic_0001>
#map = affine_map<(d0, d1) -> (0, 0)>
module attributes {stable_mosaic.version = 14 : i64} {
  func.func @gather_kernel(%arg0: i32, %arg1: i32, %arg2: memref<1000000x32xf32, #tpu.memory_space<hbm>>, %arg3: memref<6400x128xi32, #tpu.memory_space<hbm>>, %arg4: memref<819200x32xf32, #tpu.memory_space<hbm>>, %arg5: memref<200x128xi32, #tpu.memory_space<vmem>>, %arg6: memref<640x32xf32, #tpu.memory_space<vmem>>, %arg7: memref<640x32xf32, #tpu.memory_space<vmem>>, %arg8: memref<640x32xf32, #tpu.memory_space<vmem>>, %arg9: memref<640x32xf32, #tpu.memory_space<vmem>>, %arg10: memref<!tpu.dma_semaphore, #tpu.memory_space<semaphore_mem>>, %arg11: memref<!tpu.dma_semaphore, #tpu.memory_space<semaphore_mem>>, %arg12: memref<!tpu.dma_semaphore, #tpu.memory_space<semaphore_mem>>, %arg13: memref<!tpu.dma_semaphore, #tpu.memory_space<semaphore_mem>>, %arg14: memref<!tpu.dma_semaphore, #tpu.memory_space<semaphore_mem>>, %arg15: memref<!tpu.dma_semaphore, #tpu.memory_space<semaphore_mem>>, %arg16: memref<!tpu.dma_semaphore, #tpu.memory_space<semaphore_mem>>, %arg17: memref<!tpu.dma_semaphore, #tpu.memory_space<semaphore_mem>>) attributes {dimension_semantics = [#tpu.dimension_semantics<core_parallel>, #tpu.dimension_semantics<subcore_parallel>], iteration_bounds = array<i64: 2, 16>, scalar_prefetch = 0 : i64, scratch_operands = 13 : i64, tpu.core_type = #tpu.core_type<sc_vector_subcore>, window_params = [{transform_indices = #map}, {transform_indices = #map}, {transform_indices = #map}]} {
    %mul3A = arith.constant 2 : i32
    %mul3A_0 = arith.muli %arg1, %mul3A : i32
    %add3A = arith.addi %mul3A_0, %arg0 : i32
    %mul3A_1 = arith.constant 200 : i32
    %mul3A_2 = arith.muli %add3A, %mul3A_1 : i32
    %mul3A_3 = arith.constant 25600 : i32
    %mul3A_4 = arith.muli %add3A, %mul3A_3 : i32
    "tpu.region"() ({
      %run_scoped3A = tpu.sem_alloc : memref<!tpu.dma_semaphore, #tpu.memory_space<semaphore_mem>>
      %dma_start3A_279 = arith.constant 0 : i32
      %dma_start3A_280 = tpu.memref_slice %arg3[%mul3A_2, %dma_start3A_279] : memref<6400x128xi32, #tpu.memory_space<hbm>> -> memref<200x128xi32, #tpu.memory_space<hbm>>
      %dma_start3A_281 = arith.constant 0 : i32
      %dma_start3A_282 = tpu.memref_slice %arg3[%mul3A_2, %dma_start3A_281] : memref<6400x128xi32, #tpu.memory_space<hbm>> -> memref<200x128xi32, #tpu.memory_space<hbm>>
      tpu.enqueue_dma source(%dma_start3A_282 : memref<200x128xi32, #tpu.memory_space<hbm>>) target(%arg5 : memref<200x128xi32, #tpu.memory_space<vmem>>) target_semaphore(%run_scoped3A : memref<!tpu.dma_semaphore, #tpu.memory_space<semaphore_mem>>)
      %dma_wait3A_283 = arith.constant 0 : i32
      %dma_wait3A_284 = tpu.memref_slice %arg3[%mul3A_2, %dma_wait3A_283] : memref<6400x128xi32, #tpu.memory_space<hbm>> -> memref<200x128xi32, #tpu.memory_space<hbm>>
      %dma_wait3A_285 = arith.constant 0 : i32
      %dma_wait3A_286 = tpu.memref_slice %arg3[%mul3A_2, %dma_wait3A_285] : memref<6400x128xi32, #tpu.memory_space<hbm>> -> memref<200x128xi32, #tpu.memory_space<hbm>>
      tpu.wait_dma2 semaphore(%run_scoped3A : memref<!tpu.dma_semaphore, #tpu.memory_space<semaphore_mem>>) src(%dma_wait3A_286 : memref<200x128xi32, #tpu.memory_space<hbm>>) dst(%arg5 : memref<200x128xi32, #tpu.memory_space<vmem>>)
      tpu.yield
    }) : () -> ()
    %dma_start3A = arith.constant 0 : i32
    %dma_start3A_5 = arith.constant 0 : i32
    %dma_start3A_6 = arith.constant 0 : i32
    %dma_start3A_7 = tpu.memref_slice %arg6[%dma_start3A_5, %dma_start3A_6] : memref<640x32xf32, #tpu.memory_space<vmem>> -> memref<128x32xf32, #tpu.memory_space<vmem>>
    %dma_start3A_8 = arith.constant 0 : i32
    %dma_start3A_9 = tpu.memref_slice %arg5[%dma_start3A, %dma_start3A_8] : memref<200x128xi32, #tpu.memory_space<vmem>> -> memref<1x128xi32, #tpu.memory_space<vmem>>
    %dma_start3A_10 = tpu.memref_squeeze %dma_start3A_9 : memref<1x128xi32, #tpu.memory_space<vmem>> -> memref<128xi32, #tpu.memory_space<vmem>>
    %dma_start3A_11 = arith.constant 0 : i32
    %dma_start3A_12 = arith.constant 0 : i32
    %dma_start3A_13 = tpu.memref_slice %arg2[%dma_start3A_11, %dma_start3A_12] : memref<1000000x32xf32, #tpu.memory_space<hbm>> -> memref<1000000x32xf32, #tpu.memory_space<hbm>>
    tpu.enqueue_indirect_dma source(%dma_start3A_13 : memref<1000000x32xf32, #tpu.memory_space<hbm>>) target(%dma_start3A_7 : memref<128x32xf32, #tpu.memory_space<vmem>>) offsets(%dma_start3A_10 : memref<128xi32, #tpu.memory_space<vmem>>) semaphore(%arg10 : memref<!tpu.dma_semaphore, #tpu.memory_space<semaphore_mem>>)
    %dma_start3A_14 = arith.constant 1 : i32
    %dma_start3A_15 = arith.constant 128 : i32
    %dma_start3A_16 = arith.constant 0 : i32
    %dma_start3A_17 = tpu.memref_slice %arg6[%dma_start3A_15, %dma_start3A_16] : memref<640x32xf32, #tpu.memory_space<vmem>> -> memref<128x32xf32, #tpu.memory_space<vmem>>
    %dma_start3A_18 = arith.constant 0 : i32
    %dma_start3A_19 = tpu.memref_slice %arg5[%dma_start3A_14, %dma_start3A_18] : memref<200x128xi32, #tpu.memory_space<vmem>> -> memref<1x128xi32, #tpu.memory_space<vmem>>
    %dma_start3A_20 = tpu.memref_squeeze %dma_start3A_19 : memref<1x128xi32, #tpu.memory_space<vmem>> -> memref<128xi32, #tpu.memory_space<vmem>>
    %dma_start3A_21 = arith.constant 0 : i32
    %dma_start3A_22 = arith.constant 0 : i32
    %dma_start3A_23 = tpu.memref_slice %arg2[%dma_start3A_21, %dma_start3A_22] : memref<1000000x32xf32, #tpu.memory_space<hbm>> -> memref<1000000x32xf32, #tpu.memory_space<hbm>>
    tpu.enqueue_indirect_dma source(%dma_start3A_23 : memref<1000000x32xf32, #tpu.memory_space<hbm>>) target(%dma_start3A_17 : memref<128x32xf32, #tpu.memory_space<vmem>>) offsets(%dma_start3A_20 : memref<128xi32, #tpu.memory_space<vmem>>) semaphore(%arg10 : memref<!tpu.dma_semaphore, #tpu.memory_space<semaphore_mem>>)
    %dma_start3A_24 = arith.constant 2 : i32
    %dma_start3A_25 = arith.constant 256 : i32
    %dma_start3A_26 = arith.constant 0 : i32
    %dma_start3A_27 = tpu.memref_slice %arg6[%dma_start3A_25, %dma_start3A_26] : memref<640x32xf32, #tpu.memory_space<vmem>> -> memref<128x32xf32, #tpu.memory_space<vmem>>
    %dma_start3A_28 = arith.constant 0 : i32
    %dma_start3A_29 = tpu.memref_slice %arg5[%dma_start3A_24, %dma_start3A_28] : memref<200x128xi32, #tpu.memory_space<vmem>> -> memref<1x128xi32, #tpu.memory_space<vmem>>
    %dma_start3A_30 = tpu.memref_squeeze %dma_start3A_29 : memref<1x128xi32, #tpu.memory_space<vmem>> -> memref<128xi32, #tpu.memory_space<vmem>>
    %dma_start3A_31 = arith.constant 0 : i32
    %dma_start3A_32 = arith.constant 0 : i32
    %dma_start3A_33 = tpu.memref_slice %arg2[%dma_start3A_31, %dma_start3A_32] : memref<1000000x32xf32, #tpu.memory_space<hbm>> -> memref<1000000x32xf32, #tpu.memory_space<hbm>>
    tpu.enqueue_indirect_dma source(%dma_start3A_33 : memref<1000000x32xf32, #tpu.memory_space<hbm>>) target(%dma_start3A_27 : memref<128x32xf32, #tpu.memory_space<vmem>>) offsets(%dma_start3A_30 : memref<128xi32, #tpu.memory_space<vmem>>) semaphore(%arg10 : memref<!tpu.dma_semaphore, #tpu.memory_space<semaphore_mem>>)
    %dma_start3A_34 = arith.constant 3 : i32
    %dma_start3A_35 = arith.constant 384 : i32
    %dma_start3A_36 = arith.constant 0 : i32
    %dma_start3A_37 = tpu.memref_slice %arg6[%dma_start3A_35, %dma_start3A_36] : memref<640x32xf32, #tpu.memory_space<vmem>> -> memref<128x32xf32, #tpu.memory_space<vmem>>
    %dma_start3A_38 = arith.constant 0 : i32
    %dma_start3A_39 = tpu.memref_slice %arg5[%dma_start3A_34, %dma_start3A_38] : memref<200x128xi32, #tpu.memory_space<vmem>> -> memref<1x128xi32, #tpu.memory_space<vmem>>
    %dma_start3A_40 = tpu.memref_squeeze %dma_start3A_39 : memref<1x128xi32, #tpu.memory_space<vmem>> -> memref<128xi32, #tpu.memory_space<vmem>>
    %dma_start3A_41 = arith.constant 0 : i32
    %dma_start3A_42 = arith.constant 0 : i32
    %dma_start3A_43 = tpu.memref_slice %arg2[%dma_start3A_41, %dma_start3A_42] : memref<1000000x32xf32, #tpu.memory_space<hbm>> -> memref<1000000x32xf32, #tpu.memory_space<hbm>>
    tpu.enqueue_indirect_dma source(%dma_start3A_43 : memref<1000000x32xf32, #tpu.memory_space<hbm>>) target(%dma_start3A_37 : memref<128x32xf32, #tpu.memory_space<vmem>>) offsets(%dma_start3A_40 : memref<128xi32, #tpu.memory_space<vmem>>) semaphore(%arg10 : memref<!tpu.dma_semaphore, #tpu.memory_space<semaphore_mem>>)
    %dma_start3A_44 = arith.constant 4 : i32
    %dma_start3A_45 = arith.constant 512 : i32
    %dma_start3A_46 = arith.constant 0 : i32
    %dma_start3A_47 = tpu.memref_slice %arg6[%dma_start3A_45, %dma_start3A_46] : memref<640x32xf32, #tpu.memory_space<vmem>> -> memref<128x32xf32, #tpu.memory_space<vmem>>
    %dma_start3A_48 = arith.constant 0 : i32
    %dma_start3A_49 = tpu.memref_slice %arg5[%dma_start3A_44, %dma_start3A_48] : memref<200x128xi32, #tpu.memory_space<vmem>> -> memref<1x128xi32, #tpu.memory_space<vmem>>
    %dma_start3A_50 = tpu.memref_squeeze %dma_start3A_49 : memref<1x128xi32, #tpu.memory_space<vmem>> -> memref<128xi32, #tpu.memory_space<vmem>>
    %dma_start3A_51 = arith.constant 0 : i32
    %dma_start3A_52 = arith.constant 0 : i32
    %dma_start3A_53 = tpu.memref_slice %arg2[%dma_start3A_51, %dma_start3A_52] : memref<1000000x32xf32, #tpu.memory_space<hbm>> -> memref<1000000x32xf32, #tpu.memory_space<hbm>>
    tpu.enqueue_indirect_dma source(%dma_start3A_53 : memref<1000000x32xf32, #tpu.memory_space<hbm>>) target(%dma_start3A_47 : memref<128x32xf32, #tpu.memory_space<vmem>>) offsets(%dma_start3A_50 : memref<128xi32, #tpu.memory_space<vmem>>) semaphore(%arg10 : memref<!tpu.dma_semaphore, #tpu.memory_space<semaphore_mem>>)
    %dma_start3A_54 = arith.constant 5 : i32
    %dma_start3A_55 = arith.constant 0 : i32
    %dma_start3A_56 = arith.constant 0 : i32
    %dma_start3A_57 = tpu.memref_slice %arg7[%dma_start3A_55, %dma_start3A_56] : memref<640x32xf32, #tpu.memory_space<vmem>> -> memref<128x32xf32, #tpu.memory_space<vmem>>
    %dma_start3A_58 = arith.constant 0 : i32
    %dma_start3A_59 = tpu.memref_slice %arg5[%dma_start3A_54, %dma_start3A_58] : memref<200x128xi32, #tpu.memory_space<vmem>> -> memref<1x128xi32, #tpu.memory_space<vmem>>
    %dma_start3A_60 = tpu.memref_squeeze %dma_start3A_59 : memref<1x128xi32, #tpu.memory_space<vmem>> -> memref<128xi32, #tpu.memory_space<vmem>>
    %dma_start3A_61 = arith.constant 0 : i32
    %dma_start3A_62 = arith.constant 0 : i32
    %dma_start3A_63 = tpu.memref_slice %arg2[%dma_start3A_61, %dma_start3A_62] : memref<1000000x32xf32, #tpu.memory_space<hbm>> -> memref<1000000x32xf32, #tpu.memory_space<hbm>>
    tpu.enqueue_indirect_dma source(%dma_start3A_63 : memref<1000000x32xf32, #tpu.memory_space<hbm>>) target(%dma_start3A_57 : memref<128x32xf32, #tpu.memory_space<vmem>>) offsets(%dma_start3A_60 : memref<128xi32, #tpu.memory_space<vmem>>) semaphore(%arg11 : memref<!tpu.dma_semaphore, #tpu.memory_space<semaphore_mem>>)
    %dma_start3A_64 = arith.constant 6 : i32
    %dma_start3A_65 = arith.constant 128 : i32
    %dma_start3A_66 = arith.constant 0 : i32
    %dma_start3A_67 = tpu.memref_slice %arg7[%dma_start3A_65, %dma_start3A_66] : memref<640x32xf32, #tpu.memory_space<vmem>> -> memref<128x32xf32, #tpu.memory_space<vmem>>
    %dma_start3A_68 = arith.constant 0 : i32
    %dma_start3A_69 = tpu.memref_slice %arg5[%dma_start3A_64, %dma_start3A_68] : memref<200x128xi32, #tpu.memory_space<vmem>> -> memref<1x128xi32, #tpu.memory_space<vmem>>
    %dma_start3A_70 = tpu.memref_squeeze %dma_start3A_69 : memref<1x128xi32, #tpu.memory_space<vmem>> -> memref<128xi32, #tpu.memory_space<vmem>>
    %dma_start3A_71 = arith.constant 0 : i32
    %dma_start3A_72 = arith.constant 0 : i32
    %dma_start3A_73 = tpu.memref_slice %arg2[%dma_start3A_71, %dma_start3A_72] : memref<1000000x32xf32, #tpu.memory_space<hbm>> -> memref<1000000x32xf32, #tpu.memory_space<hbm>>
    tpu.enqueue_indirect_dma source(%dma_start3A_73 : memref<1000000x32xf32, #tpu.memory_space<hbm>>) target(%dma_start3A_67 : memref<128x32xf32, #tpu.memory_space<vmem>>) offsets(%dma_start3A_70 : memref<128xi32, #tpu.memory_space<vmem>>) semaphore(%arg11 : memref<!tpu.dma_semaphore, #tpu.memory_space<semaphore_mem>>)
    %dma_start3A_74 = arith.constant 7 : i32
    %dma_start3A_75 = arith.constant 256 : i32
    %dma_start3A_76 = arith.constant 0 : i32
    %dma_start3A_77 = tpu.memref_slice %arg7[%dma_start3A_75, %dma_start3A_76] : memref<640x32xf32, #tpu.memory_space<vmem>> -> memref<128x32xf32, #tpu.memory_space<vmem>>
    %dma_start3A_78 = arith.constant 0 : i32
    %dma_start3A_79 = tpu.memref_slice %arg5[%dma_start3A_74, %dma_start3A_78] : memref<200x128xi32, #tpu.memory_space<vmem>> -> memref<1x128xi32, #tpu.memory_space<vmem>>
    %dma_start3A_80 = tpu.memref_squeeze %dma_start3A_79 : memref<1x128xi32, #tpu.memory_space<vmem>> -> memref<128xi32, #tpu.memory_space<vmem>>
    %dma_start3A_81 = arith.constant 0 : i32
    %dma_start3A_82 = arith.constant 0 : i32
    %dma_start3A_83 = tpu.memref_slice %arg2[%dma_start3A_81, %dma_start3A_82] : memref<1000000x32xf32, #tpu.memory_space<hbm>> -> memref<1000000x32xf32, #tpu.memory_space<hbm>>
    tpu.enqueue_indirect_dma source(%dma_start3A_83 : memref<1000000x32xf32, #tpu.memory_space<hbm>>) target(%dma_start3A_77 : memref<128x32xf32, #tpu.memory_space<vmem>>) offsets(%dma_start3A_80 : memref<128xi32, #tpu.memory_space<vmem>>) semaphore(%arg11 : memref<!tpu.dma_semaphore, #tpu.memory_space<semaphore_mem>>)
    %dma_start3A_84 = arith.constant 8 : i32
    %dma_start3A_85 = arith.constant 384 : i32
    %dma_start3A_86 = arith.constant 0 : i32
    %dma_start3A_87 = tpu.memref_slice %arg7[%dma_start3A_85, %dma_start3A_86] : memref<640x32xf32, #tpu.memory_space<vmem>> -> memref<128x32xf32, #tpu.memory_space<vmem>>
    %dma_start3A_88 = arith.constant 0 : i32
    %dma_start3A_89 = tpu.memref_slice %arg5[%dma_start3A_84, %dma_start3A_88] : memref<200x128xi32, #tpu.memory_space<vmem>> -> memref<1x128xi32, #tpu.memory_space<vmem>>
    %dma_start3A_90 = tpu.memref_squeeze %dma_start3A_89 : memref<1x128xi32, #tpu.memory_space<vmem>> -> memref<128xi32, #tpu.memory_space<vmem>>
    %dma_start3A_91 = arith.constant 0 : i32
    %dma_start3A_92 = arith.constant 0 : i32
    %dma_start3A_93 = tpu.memref_slice %arg2[%dma_start3A_91, %dma_start3A_92] : memref<1000000x32xf32, #tpu.memory_space<hbm>> -> memref<1000000x32xf32, #tpu.memory_space<hbm>>
    tpu.enqueue_indirect_dma source(%dma_start3A_93 : memref<1000000x32xf32, #tpu.memory_space<hbm>>) target(%dma_start3A_87 : memref<128x32xf32, #tpu.memory_space<vmem>>) offsets(%dma_start3A_90 : memref<128xi32, #tpu.memory_space<vmem>>) semaphore(%arg11 : memref<!tpu.dma_semaphore, #tpu.memory_space<semaphore_mem>>)
    %dma_start3A_94 = arith.constant 9 : i32
    %dma_start3A_95 = arith.constant 512 : i32
    %dma_start3A_96 = arith.constant 0 : i32
    %dma_start3A_97 = tpu.memref_slice %arg7[%dma_start3A_95, %dma_start3A_96] : memref<640x32xf32, #tpu.memory_space<vmem>> -> memref<128x32xf32, #tpu.memory_space<vmem>>
    %dma_start3A_98 = arith.constant 0 : i32
    %dma_start3A_99 = tpu.memref_slice %arg5[%dma_start3A_94, %dma_start3A_98] : memref<200x128xi32, #tpu.memory_space<vmem>> -> memref<1x128xi32, #tpu.memory_space<vmem>>
    %dma_start3A_100 = tpu.memref_squeeze %dma_start3A_99 : memref<1x128xi32, #tpu.memory_space<vmem>> -> memref<128xi32, #tpu.memory_space<vmem>>
    %dma_start3A_101 = arith.constant 0 : i32
    %dma_start3A_102 = arith.constant 0 : i32
    %dma_start3A_103 = tpu.memref_slice %arg2[%dma_start3A_101, %dma_start3A_102] : memref<1000000x32xf32, #tpu.memory_space<hbm>> -> memref<1000000x32xf32, #tpu.memory_space<hbm>>
    tpu.enqueue_indirect_dma source(%dma_start3A_103 : memref<1000000x32xf32, #tpu.memory_space<hbm>>) target(%dma_start3A_97 : memref<128x32xf32, #tpu.memory_space<vmem>>) offsets(%dma_start3A_100 : memref<128xi32, #tpu.memory_space<vmem>>) semaphore(%arg11 : memref<!tpu.dma_semaphore, #tpu.memory_space<semaphore_mem>>)
    %dma_wait3A = arith.constant 0 : i32
    %dma_wait3A_104 = arith.constant 0 : i32
    %dma_wait3A_105 = tpu.memref_slice %arg2[%dma_wait3A, %dma_wait3A_104] : memref<1000000x32xf32, #tpu.memory_space<hbm>> -> memref<640x32xf32, #tpu.memory_space<hbm>>
    %dma_wait3A_106 = arith.constant 0 : i32
    %dma_wait3A_107 = arith.constant 0 : i32
    %dma_wait3A_108 = tpu.memref_slice %arg2[%dma_wait3A_106, %dma_wait3A_107] : memref<1000000x32xf32, #tpu.memory_space<hbm>> -> memref<640x32xf32, #tpu.memory_space<hbm>>
    tpu.wait_dma2 semaphore(%arg10 : memref<!tpu.dma_semaphore, #tpu.memory_space<semaphore_mem>>) src(%dma_wait3A_108 : memref<640x32xf32, #tpu.memory_space<hbm>>) dst(%arg6 : memref<640x32xf32, #tpu.memory_space<vmem>>)
    %add3A_109 = arith.constant 0 : i32
    %add3A_110 = arith.addi %mul3A_4, %add3A_109 : i32
    %dma_start3A_111 = arith.constant 0 : i32
    %dma_start3A_112 = tpu.memref_slice %arg4[%add3A_110, %dma_start3A_111] : memref<819200x32xf32, #tpu.memory_space<hbm>> -> memref<640x32xf32, #tpu.memory_space<hbm>>
    %dma_start3A_113 = arith.constant 0 : i32
    %dma_start3A_114 = tpu.memref_slice %arg4[%add3A_110, %dma_start3A_113] : memref<819200x32xf32, #tpu.memory_space<hbm>> -> memref<640x32xf32, #tpu.memory_space<hbm>>
    tpu.enqueue_dma source(%arg6 : memref<640x32xf32, #tpu.memory_space<vmem>>) target(%dma_start3A_114 : memref<640x32xf32, #tpu.memory_space<hbm>>) target_semaphore(%arg14 : memref<!tpu.dma_semaphore, #tpu.memory_space<semaphore_mem>>)
    %dma_start3A_115 = arith.constant 10 : i32
    %dma_start3A_116 = arith.constant 0 : i32
    %dma_start3A_117 = arith.constant 0 : i32
    %dma_start3A_118 = tpu.memref_slice %arg8[%dma_start3A_116, %dma_start3A_117] : memref<640x32xf32, #tpu.memory_space<vmem>> -> memref<128x32xf32, #tpu.memory_space<vmem>>
    %dma_start3A_119 = arith.constant 0 : i32
    %dma_start3A_120 = tpu.memref_slice %arg5[%dma_start3A_115, %dma_start3A_119] : memref<200x128xi32, #tpu.memory_space<vmem>> -> memref<1x128xi32, #tpu.memory_space<vmem>>
    %dma_start3A_121 = tpu.memref_squeeze %dma_start3A_120 : memref<1x128xi32, #tpu.memory_space<vmem>> -> memref<128xi32, #tpu.memory_space<vmem>>
    %dma_start3A_122 = arith.constant 0 : i32
    %dma_start3A_123 = arith.constant 0 : i32
    %dma_start3A_124 = tpu.memref_slice %arg2[%dma_start3A_122, %dma_start3A_123] : memref<1000000x32xf32, #tpu.memory_space<hbm>> -> memref<1000000x32xf32, #tpu.memory_space<hbm>>
    tpu.enqueue_indirect_dma source(%dma_start3A_124 : memref<1000000x32xf32, #tpu.memory_space<hbm>>) target(%dma_start3A_118 : memref<128x32xf32, #tpu.memory_space<vmem>>) offsets(%dma_start3A_121 : memref<128xi32, #tpu.memory_space<vmem>>) semaphore(%arg12 : memref<!tpu.dma_semaphore, #tpu.memory_space<semaphore_mem>>)
    %dma_start3A_125 = arith.constant 11 : i32
    %dma_start3A_126 = arith.constant 128 : i32
    %dma_start3A_127 = arith.constant 0 : i32
    %dma_start3A_128 = tpu.memref_slice %arg8[%dma_start3A_126, %dma_start3A_127] : memref<640x32xf32, #tpu.memory_space<vmem>> -> memref<128x32xf32, #tpu.memory_space<vmem>>
    %dma_start3A_129 = arith.constant 0 : i32
    %dma_start3A_130 = tpu.memref_slice %arg5[%dma_start3A_125, %dma_start3A_129] : memref<200x128xi32, #tpu.memory_space<vmem>> -> memref<1x128xi32, #tpu.memory_space<vmem>>
    %dma_start3A_131 = tpu.memref_squeeze %dma_start3A_130 : memref<1x128xi32, #tpu.memory_space<vmem>> -> memref<128xi32, #tpu.memory_space<vmem>>
    %dma_start3A_132 = arith.constant 0 : i32
    %dma_start3A_133 = arith.constant 0 : i32
    %dma_start3A_134 = tpu.memref_slice %arg2[%dma_start3A_132, %dma_start3A_133] : memref<1000000x32xf32, #tpu.memory_space<hbm>> -> memref<1000000x32xf32, #tpu.memory_space<hbm>>
    tpu.enqueue_indirect_dma source(%dma_start3A_134 : memref<1000000x32xf32, #tpu.memory_space<hbm>>) target(%dma_start3A_128 : memref<128x32xf32, #tpu.memory_space<vmem>>) offsets(%dma_start3A_131 : memref<128xi32, #tpu.memory_space<vmem>>) semaphore(%arg12 : memref<!tpu.dma_semaphore, #tpu.memory_space<semaphore_mem>>)
    %dma_start3A_135 = arith.constant 12 : i32
    %dma_start3A_136 = arith.constant 256 : i32
    %dma_start3A_137 = arith.constant 0 : i32
    %dma_start3A_138 = tpu.memref_slice %arg8[%dma_start3A_136, %dma_start3A_137] : memref<640x32xf32, #tpu.memory_space<vmem>> -> memref<128x32xf32, #tpu.memory_space<vmem>>
    %dma_start3A_139 = arith.constant 0 : i32
    %dma_start3A_140 = tpu.memref_slice %arg5[%dma_start3A_135, %dma_start3A_139] : memref<200x128xi32, #tpu.memory_space<vmem>> -> memref<1x128xi32, #tpu.memory_space<vmem>>
    %dma_start3A_141 = tpu.memref_squeeze %dma_start3A_140 : memref<1x128xi32, #tpu.memory_space<vmem>> -> memref<128xi32, #tpu.memory_space<vmem>>
    %dma_start3A_142 = arith.constant 0 : i32
    %dma_start3A_143 = arith.constant 0 : i32
    %dma_start3A_144 = tpu.memref_slice %arg2[%dma_start3A_142, %dma_start3A_143] : memref<1000000x32xf32, #tpu.memory_space<hbm>> -> memref<1000000x32xf32, #tpu.memory_space<hbm>>
    tpu.enqueue_indirect_dma source(%dma_start3A_144 : memref<1000000x32xf32, #tpu.memory_space<hbm>>) target(%dma_start3A_138 : memref<128x32xf32, #tpu.memory_space<vmem>>) offsets(%dma_start3A_141 : memref<128xi32, #tpu.memory_space<vmem>>) semaphore(%arg12 : memref<!tpu.dma_semaphore, #tpu.memory_space<semaphore_mem>>)
    %dma_start3A_145 = arith.constant 13 : i32
    %dma_start3A_146 = arith.constant 384 : i32
    %dma_start3A_147 = arith.constant 0 : i32
    %dma_start3A_148 = tpu.memref_slice %arg8[%dma_start3A_146, %dma_start3A_147] : memref<640x32xf32, #tpu.memory_space<vmem>> -> memref<128x32xf32, #tpu.memory_space<vmem>>
    %dma_start3A_149 = arith.constant 0 : i32
    %dma_start3A_150 = tpu.memref_slice %arg5[%dma_start3A_145, %dma_start3A_149] : memref<200x128xi32, #tpu.memory_space<vmem>> -> memref<1x128xi32, #tpu.memory_space<vmem>>
    %dma_start3A_151 = tpu.memref_squeeze %dma_start3A_150 : memref<1x128xi32, #tpu.memory_space<vmem>> -> memref<128xi32, #tpu.memory_space<vmem>>
    %dma_start3A_152 = arith.constant 0 : i32
    %dma_start3A_153 = arith.constant 0 : i32
    %dma_start3A_154 = tpu.memref_slice %arg2[%dma_start3A_152, %dma_start3A_153] : memref<1000000x32xf32, #tpu.memory_space<hbm>> -> memref<1000000x32xf32, #tpu.memory_space<hbm>>
    tpu.enqueue_indirect_dma source(%dma_start3A_154 : memref<1000000x32xf32, #tpu.memory_space<hbm>>) target(%dma_start3A_148 : memref<128x32xf32, #tpu.memory_space<vmem>>) offsets(%dma_start3A_151 : memref<128xi32, #tpu.memory_space<vmem>>) semaphore(%arg12 : memref<!tpu.dma_semaphore, #tpu.memory_space<semaphore_mem>>)
    %dma_start3A_155 = arith.constant 14 : i32
    %dma_start3A_156 = arith.constant 512 : i32
    %dma_start3A_157 = arith.constant 0 : i32
    %dma_start3A_158 = tpu.memref_slice %arg8[%dma_start3A_156, %dma_start3A_157] : memref<640x32xf32, #tpu.memory_space<vmem>> -> memref<128x32xf32, #tpu.memory_space<vmem>>
    %dma_start3A_159 = arith.constant 0 : i32
    %dma_start3A_160 = tpu.memref_slice %arg5[%dma_start3A_155, %dma_start3A_159] : memref<200x128xi32, #tpu.memory_space<vmem>> -> memref<1x128xi32, #tpu.memory_space<vmem>>
    %dma_start3A_161 = tpu.memref_squeeze %dma_start3A_160 : memref<1x128xi32, #tpu.memory_space<vmem>> -> memref<128xi32, #tpu.memory_space<vmem>>
    %dma_start3A_162 = arith.constant 0 : i32
    %dma_start3A_163 = arith.constant 0 : i32
    %dma_start3A_164 = tpu.memref_slice %arg2[%dma_start3A_162, %dma_start3A_163] : memref<1000000x32xf32, #tpu.memory_space<hbm>> -> memref<1000000x32xf32, #tpu.memory_space<hbm>>
    tpu.enqueue_indirect_dma source(%dma_start3A_164 : memref<1000000x32xf32, #tpu.memory_space<hbm>>) target(%dma_start3A_158 : memref<128x32xf32, #tpu.memory_space<vmem>>) offsets(%dma_start3A_161 : memref<128xi32, #tpu.memory_space<vmem>>) semaphore(%arg12 : memref<!tpu.dma_semaphore, #tpu.memory_space<semaphore_mem>>)
    %dma_wait3A_165 = arith.constant 0 : i32
    %dma_wait3A_166 = arith.constant 0 : i32
    %dma_wait3A_167 = tpu.memref_slice %arg2[%dma_wait3A_165, %dma_wait3A_166] : memref<1000000x32xf32, #tpu.memory_space<hbm>> -> memref<640x32xf32, #tpu.memory_space<hbm>>
    %dma_wait3A_168 = arith.constant 0 : i32
    %dma_wait3A_169 = arith.constant 0 : i32
    %dma_wait3A_170 = tpu.memref_slice %arg2[%dma_wait3A_168, %dma_wait3A_169] : memref<1000000x32xf32, #tpu.memory_space<hbm>> -> memref<640x32xf32, #tpu.memory_space<hbm>>
    tpu.wait_dma2 semaphore(%arg11 : memref<!tpu.dma_semaphore, #tpu.memory_space<semaphore_mem>>) src(%dma_wait3A_170 : memref<640x32xf32, #tpu.memory_space<hbm>>) dst(%arg7 : memref<640x32xf32, #tpu.memory_space<vmem>>)
    %add3A_171 = arith.constant 640 : i32
    %add3A_172 = arith.addi %mul3A_4, %add3A_171 : i32
    %dma_start3A_173 = arith.constant 0 : i32
    %dma_start3A_174 = tpu.memref_slice %arg4[%add3A_172, %dma_start3A_173] : memref<819200x32xf32, #tpu.memory_space<hbm>> -> memref<640x32xf32, #tpu.memory_space<hbm>>
    %dma_start3A_175 = arith.constant 0 : i32
    %dma_start3A_176 = tpu.memref_slice %arg4[%add3A_172, %dma_start3A_175] : memref<819200x32xf32, #tpu.memory_space<hbm>> -> memref<640x32xf32, #tpu.memory_space<hbm>>
    tpu.enqueue_dma source(%arg7 : memref<640x32xf32, #tpu.memory_space<vmem>>) target(%dma_start3A_176 : memref<640x32xf32, #tpu.memory_space<hbm>>) target_semaphore(%arg15 : memref<!tpu.dma_semaphore, #tpu.memory_space<semaphore_mem>>)
    %dma_start3A_177 = arith.constant 15 : i32
    %dma_start3A_178 = arith.constant 0 : i32
    %dma_start3A_179 = arith.constant 0 : i32
    %dma_start3A_180 = tpu.memref_slice %arg9[%dma_start3A_178, %dma_start3A_179] : memref<640x32xf32, #tpu.memory_space<vmem>> -> memref<128x32xf32, #tpu.memory_space<vmem>>
    %dma_start3A_181 = arith.constant 0 : i32
    %dma_start3A_182 = tpu.memref_slice %arg5[%dma_start3A_177, %dma_start3A_181] : memref<200x128xi32, #tpu.memory_space<vmem>> -> memref<1x128xi32, #tpu.memory_space<vmem>>
    %dma_start3A_183 = tpu.memref_squeeze %dma_start3A_182 : memref<1x128xi32, #tpu.memory_space<vmem>> -> memref<128xi32, #tpu.memory_space<vmem>>
    %dma_start3A_184 = arith.constant 0 : i32
    %dma_start3A_185 = arith.constant 0 : i32
    %dma_start3A_186 = tpu.memref_slice %arg2[%dma_start3A_184, %dma_start3A_185] : memref<1000000x32xf32, #tpu.memory_space<hbm>> -> memref<1000000x32xf32, #tpu.memory_space<hbm>>
    tpu.enqueue_indirect_dma source(%dma_start3A_186 : memref<1000000x32xf32, #tpu.memory_space<hbm>>) target(%dma_start3A_180 : memref<128x32xf32, #tpu.memory_space<vmem>>) offsets(%dma_start3A_183 : memref<128xi32, #tpu.memory_space<vmem>>) semaphore(%arg13 : memref<!tpu.dma_semaphore, #tpu.memory_space<semaphore_mem>>)
    %dma_start3A_187 = arith.constant 16 : i32
    %dma_start3A_188 = arith.constant 128 : i32
    %dma_start3A_189 = arith.constant 0 : i32
    %dma_start3A_190 = tpu.memref_slice %arg9[%dma_start3A_188, %dma_start3A_189] : memref<640x32xf32, #tpu.memory_space<vmem>> -> memref<128x32xf32, #tpu.memory_space<vmem>>
    %dma_start3A_191 = arith.constant 0 : i32
    %dma_start3A_192 = tpu.memref_slice %arg5[%dma_start3A_187, %dma_start3A_191] : memref<200x128xi32, #tpu.memory_space<vmem>> -> memref<1x128xi32, #tpu.memory_space<vmem>>
    %dma_start3A_193 = tpu.memref_squeeze %dma_start3A_192 : memref<1x128xi32, #tpu.memory_space<vmem>> -> memref<128xi32, #tpu.memory_space<vmem>>
    %dma_start3A_194 = arith.constant 0 : i32
    %dma_start3A_195 = arith.constant 0 : i32
    %dma_start3A_196 = tpu.memref_slice %arg2[%dma_start3A_194, %dma_start3A_195] : memref<1000000x32xf32, #tpu.memory_space<hbm>> -> memref<1000000x32xf32, #tpu.memory_space<hbm>>
    tpu.enqueue_indirect_dma source(%dma_start3A_196 : memref<1000000x32xf32, #tpu.memory_space<hbm>>) target(%dma_start3A_190 : memref<128x32xf32, #tpu.memory_space<vmem>>) offsets(%dma_start3A_193 : memref<128xi32, #tpu.memory_space<vmem>>) semaphore(%arg13 : memref<!tpu.dma_semaphore, #tpu.memory_space<semaphore_mem>>)
    %dma_start3A_197 = arith.constant 17 : i32
    %dma_start3A_198 = arith.constant 256 : i32
    %dma_start3A_199 = arith.constant 0 : i32
    %dma_start3A_200 = tpu.memref_slice %arg9[%dma_start3A_198, %dma_start3A_199] : memref<640x32xf32, #tpu.memory_space<vmem>> -> memref<128x32xf32, #tpu.memory_space<vmem>>
    %dma_start3A_201 = arith.constant 0 : i32
    %dma_start3A_202 = tpu.memref_slice %arg5[%dma_start3A_197, %dma_start3A_201] : memref<200x128xi32, #tpu.memory_space<vmem>> -> memref<1x128xi32, #tpu.memory_space<vmem>>
    %dma_start3A_203 = tpu.memref_squeeze %dma_start3A_202 : memref<1x128xi32, #tpu.memory_space<vmem>> -> memref<128xi32, #tpu.memory_space<vmem>>
    %dma_start3A_204 = arith.constant 0 : i32
    %dma_start3A_205 = arith.constant 0 : i32
    %dma_start3A_206 = tpu.memref_slice %arg2[%dma_start3A_204, %dma_start3A_205] : memref<1000000x32xf32, #tpu.memory_space<hbm>> -> memref<1000000x32xf32, #tpu.memory_space<hbm>>
    tpu.enqueue_indirect_dma source(%dma_start3A_206 : memref<1000000x32xf32, #tpu.memory_space<hbm>>) target(%dma_start3A_200 : memref<128x32xf32, #tpu.memory_space<vmem>>) offsets(%dma_start3A_203 : memref<128xi32, #tpu.memory_space<vmem>>) semaphore(%arg13 : memref<!tpu.dma_semaphore, #tpu.memory_space<semaphore_mem>>)
    %dma_start3A_207 = arith.constant 18 : i32
    %dma_start3A_208 = arith.constant 384 : i32
    %dma_start3A_209 = arith.constant 0 : i32
    %dma_start3A_210 = tpu.memref_slice %arg9[%dma_start3A_208, %dma_start3A_209] : memref<640x32xf32, #tpu.memory_space<vmem>> -> memref<128x32xf32, #tpu.memory_space<vmem>>
    %dma_start3A_211 = arith.constant 0 : i32
    %dma_start3A_212 = tpu.memref_slice %arg5[%dma_start3A_207, %dma_start3A_211] : memref<200x128xi32, #tpu.memory_space<vmem>> -> memref<1x128xi32, #tpu.memory_space<vmem>>
    %dma_start3A_213 = tpu.memref_squeeze %dma_start3A_212 : memref<1x128xi32, #tpu.memory_space<vmem>> -> memref<128xi32, #tpu.memory_space<vmem>>
    %dma_start3A_214 = arith.constant 0 : i32
    %dma_start3A_215 = arith.constant 0 : i32
    %dma_start3A_216 = tpu.memref_slice %arg2[%dma_start3A_214, %dma_start3A_215] : memref<1000000x32xf32, #tpu.memory_space<hbm>> -> memref<1000000x32xf32, #tpu.memory_space<hbm>>
    tpu.enqueue_indirect_dma source(%dma_start3A_216 : memref<1000000x32xf32, #tpu.memory_space<hbm>>) target(%dma_start3A_210 : memref<128x32xf32, #tpu.memory_space<vmem>>) offsets(%dma_start3A_213 : memref<128xi32, #tpu.memory_space<vmem>>) semaphore(%arg13 : memref<!tpu.dma_semaphore, #tpu.memory_space<semaphore_mem>>)
    %dma_start3A_217 = arith.constant 19 : i32
    %dma_start3A_218 = arith.constant 512 : i32
    %dma_start3A_219 = arith.constant 0 : i32
    %dma_start3A_220 = tpu.memref_slice %arg9[%dma_start3A_218, %dma_start3A_219] : memref<640x32xf32, #tpu.memory_space<vmem>> -> memref<128x32xf32, #tpu.memory_space<vmem>>
    %dma_start3A_221 = arith.constant 0 : i32
    %dma_start3A_222 = tpu.memref_slice %arg5[%dma_start3A_217, %dma_start3A_221] : memref<200x128xi32, #tpu.memory_space<vmem>> -> memref<1x128xi32, #tpu.memory_space<vmem>>
    %dma_start3A_223 = tpu.memref_squeeze %dma_start3A_222 : memref<1x128xi32, #tpu.memory_space<vmem>> -> memref<128xi32, #tpu.memory_space<vmem>>
    %dma_start3A_224 = arith.constant 0 : i32
    %dma_start3A_225 = arith.constant 0 : i32
    %dma_start3A_226 = tpu.memref_slice %arg2[%dma_start3A_224, %dma_start3A_225] : memref<1000000x32xf32, #tpu.memory_space<hbm>> -> memref<1000000x32xf32, #tpu.memory_space<hbm>>
    tpu.enqueue_indirect_dma source(%dma_start3A_226 : memref<1000000x32xf32, #tpu.memory_space<hbm>>) target(%dma_start3A_220 : memref<128x32xf32, #tpu.memory_space<vmem>>) offsets(%dma_start3A_223 : memref<128xi32, #tpu.memory_space<vmem>>) semaphore(%arg13 : memref<!tpu.dma_semaphore, #tpu.memory_space<semaphore_mem>>)
    %dma_wait3A_227 = arith.constant 0 : i32
    %dma_wait3A_228 = arith.constant 0 : i32
    %dma_wait3A_229 = tpu.memref_slice %arg2[%dma_wait3A_227, %dma_wait3A_228] : memref<1000000x32xf32, #tpu.memory_space<hbm>> -> memref<640x32xf32, #tpu.memory_space<hbm>>
    %dma_wait3A_230 = arith.constant 0 : i32
    %dma_wait3A_231 = arith.constant 0 : i32
    %dma_wait3A_232 = tpu.memref_slice %arg2[%dma_wait3A_230, %dma_wait3A_231] : memref<1000000x32xf32, #tpu.memory_space<hbm>> -> memref<640x32xf32, #tpu.memory_space<hbm>>
    tpu.wait_dma2 semaphore(%arg12 : memref<!tpu.dma_semaphore, #tpu.memory_space<semaphore_mem>>) src(%dma_wait3A_232 : memref<640x32xf32, #tpu.memory_space<hbm>>) dst(%arg8 : memref<640x32xf32, #tpu.memory_space<vmem>>)
    %add3A_233 = arith.constant 1280 : i32
    %add3A_234 = arith.addi %mul3A_4, %add3A_233 : i32
    %dma_start3A_235 = arith.constant 0 : i32
    %dma_start3A_236 = tpu.memref_slice %arg4[%add3A_234, %dma_start3A_235] : memref<819200x32xf32, #tpu.memory_space<hbm>> -> memref<640x32xf32, #tpu.memory_space<hbm>>
    %dma_start3A_237 = arith.constant 0 : i32
    %dma_start3A_238 = tpu.memref_slice %arg4[%add3A_234, %dma_start3A_237] : memref<819200x32xf32, #tpu.memory_space<hbm>> -> memref<640x32xf32, #tpu.memory_space<hbm>>
    tpu.enqueue_dma source(%arg8 : memref<640x32xf32, #tpu.memory_space<vmem>>) target(%dma_start3A_238 : memref<640x32xf32, #tpu.memory_space<hbm>>) target_semaphore(%arg16 : memref<!tpu.dma_semaphore, #tpu.memory_space<semaphore_mem>>)
    %scan3A = arith.constant 1 : i32
    %scan3A_239 = arith.constant 9 : i32
    %scan3A_240 = arith.addi %scan3A, %scan3A_239 : i32
    %scan3A_241 = arith.constant 1 : i32
    scf.for %scan3A_279 = %scan3A to %scan3A_240 step %scan3A_241  : i32 {
      %mul3A_280 = arith.constant 4 : i32
      %mul3A_281 = arith.muli %scan3A_279, %mul3A_280 : i32
      %add3A_282 = arith.constant 0 : i32
      %add3A_283 = arith.addi %mul3A_281, %add3A_282 : i32
      %dma_wait3A_284 = arith.constant 0 : i32
      %dma_wait3A_285 = arith.constant 0 : i32
      %dma_wait3A_286 = tpu.memref_slice %arg4[%dma_wait3A_284, %dma_wait3A_285] : memref<819200x32xf32, #tpu.memory_space<hbm>> -> memref<640x32xf32, #tpu.memory_space<hbm>>
      %dma_wait3A_287 = arith.constant 0 : i32
      %dma_wait3A_288 = arith.constant 0 : i32
      %dma_wait3A_289 = tpu.memref_slice %arg4[%dma_wait3A_287, %dma_wait3A_288] : memref<819200x32xf32, #tpu.memory_space<hbm>> -> memref<640x32xf32, #tpu.memory_space<hbm>>
      tpu.wait_dma2 semaphore(%arg14 : memref<!tpu.dma_semaphore, #tpu.memory_space<semaphore_mem>>) src(%arg6 : memref<640x32xf32, #tpu.memory_space<vmem>>) dst(%dma_wait3A_289 : memref<640x32xf32, #tpu.memory_space<hbm>>)
      %mul3A_290 = arith.constant 5 : i32
      %mul3A_291 = arith.muli %add3A_283, %mul3A_290 : i32
      %add3A_292 = arith.constant 0 : i32
      %add3A_293 = arith.addi %mul3A_291, %add3A_292 : i32
      %dma_start3A_294 = arith.constant 0 : i32
      %dma_start3A_295 = arith.constant 0 : i32
      %dma_start3A_296 = tpu.memref_slice %arg6[%dma_start3A_294, %dma_start3A_295] : memref<640x32xf32, #tpu.memory_space<vmem>> -> memref<128x32xf32, #tpu.memory_space<vmem>>
      %dma_start3A_297 = arith.constant 0 : i32
      %dma_start3A_298 = tpu.memref_slice %arg5[%add3A_293, %dma_start3A_297] : memref<200x128xi32, #tpu.memory_space<vmem>> -> memref<1x128xi32, #tpu.memory_space<vmem>>
      %dma_start3A_299 = tpu.memref_squeeze %dma_start3A_298 : memref<1x128xi32, #tpu.memory_space<vmem>> -> memref<128xi32, #tpu.memory_space<vmem>>
      %dma_start3A_300 = arith.constant 0 : i32
      %dma_start3A_301 = arith.constant 0 : i32
      %dma_start3A_302 = tpu.memref_slice %arg2[%dma_start3A_300, %dma_start3A_301] : memref<1000000x32xf32, #tpu.memory_space<hbm>> -> memref<1000000x32xf32, #tpu.memory_space<hbm>>
      tpu.enqueue_indirect_dma source(%dma_start3A_302 : memref<1000000x32xf32, #tpu.memory_space<hbm>>) target(%dma_start3A_296 : memref<128x32xf32, #tpu.memory_space<vmem>>) offsets(%dma_start3A_299 : memref<128xi32, #tpu.memory_space<vmem>>) semaphore(%arg10 : memref<!tpu.dma_semaphore, #tpu.memory_space<semaphore_mem>>)
      %mul3A_303 = arith.constant 5 : i32
      %mul3A_304 = arith.muli %add3A_283, %mul3A_303 : i32
      %add3A_305 = arith.constant 1 : i32
      %add3A_306 = arith.addi %mul3A_304, %add3A_305 : i32
      %dma_start3A_307 = arith.constant 128 : i32
      %dma_start3A_308 = arith.constant 0 : i32
      %dma_start3A_309 = tpu.memref_slice %arg6[%dma_start3A_307, %dma_start3A_308] : memref<640x32xf32, #tpu.memory_space<vmem>> -> memref<128x32xf32, #tpu.memory_space<vmem>>
      %dma_start3A_310 = arith.constant 0 : i32
      %dma_start3A_311 = tpu.memref_slice %arg5[%add3A_306, %dma_start3A_310] : memref<200x128xi32, #tpu.memory_space<vmem>> -> memref<1x128xi32, #tpu.memory_space<vmem>>
      %dma_start3A_312 = tpu.memref_squeeze %dma_start3A_311 : memref<1x128xi32, #tpu.memory_space<vmem>> -> memref<128xi32, #tpu.memory_space<vmem>>
      %dma_start3A_313 = arith.constant 0 : i32
      %dma_start3A_314 = arith.constant 0 : i32
      %dma_start3A_315 = tpu.memref_slice %arg2[%dma_start3A_313, %dma_start3A_314] : memref<1000000x32xf32, #tpu.memory_space<hbm>> -> memref<1000000x32xf32, #tpu.memory_space<hbm>>
      tpu.enqueue_indirect_dma source(%dma_start3A_315 : memref<1000000x32xf32, #tpu.memory_space<hbm>>) target(%dma_start3A_309 : memref<128x32xf32, #tpu.memory_space<vmem>>) offsets(%dma_start3A_312 : memref<128xi32, #tpu.memory_space<vmem>>) semaphore(%arg10 : memref<!tpu.dma_semaphore, #tpu.memory_space<semaphore_mem>>)
      %mul3A_316 = arith.constant 5 : i32
      %mul3A_317 = arith.muli %add3A_283, %mul3A_316 : i32
      %add3A_318 = arith.constant 2 : i32
      %add3A_319 = arith.addi %mul3A_317, %add3A_318 : i32
      %dma_start3A_320 = arith.constant 256 : i32
      %dma_start3A_321 = arith.constant 0 : i32
      %dma_start3A_322 = tpu.memref_slice %arg6[%dma_start3A_320, %dma_start3A_321] : memref<640x32xf32, #tpu.memory_space<vmem>> -> memref<128x32xf32, #tpu.memory_space<vmem>>
      %dma_start3A_323 = arith.constant 0 : i32
      %dma_start3A_324 = tpu.memref_slice %arg5[%add3A_319, %dma_start3A_323] : memref<200x128xi32, #tpu.memory_space<vmem>> -> memref<1x128xi32, #tpu.memory_space<vmem>>
      %dma_start3A_325 = tpu.memref_squeeze %dma_start3A_324 : memref<1x128xi32, #tpu.memory_space<vmem>> -> memref<128xi32, #tpu.memory_space<vmem>>
      %dma_start3A_326 = arith.constant 0 : i32
      %dma_start3A_327 = arith.constant 0 : i32
      %dma_start3A_328 = tpu.memref_slice %arg2[%dma_start3A_326, %dma_start3A_327] : memref<1000000x32xf32, #tpu.memory_space<hbm>> -> memref<1000000x32xf32, #tpu.memory_space<hbm>>
      tpu.enqueue_indirect_dma source(%dma_start3A_328 : memref<1000000x32xf32, #tpu.memory_space<hbm>>) target(%dma_start3A_322 : memref<128x32xf32, #tpu.memory_space<vmem>>) offsets(%dma_start3A_325 : memref<128xi32, #tpu.memory_space<vmem>>) semaphore(%arg10 : memref<!tpu.dma_semaphore, #tpu.memory_space<semaphore_mem>>)
      %mul3A_329 = arith.constant 5 : i32
      %mul3A_330 = arith.muli %add3A_283, %mul3A_329 : i32
      %add3A_331 = arith.constant 3 : i32
      %add3A_332 = arith.addi %mul3A_330, %add3A_331 : i32
      %dma_start3A_333 = arith.constant 384 : i32
      %dma_start3A_334 = arith.constant 0 : i32
      %dma_start3A_335 = tpu.memref_slice %arg6[%dma_start3A_333, %dma_start3A_334] : memref<640x32xf32, #tpu.memory_space<vmem>> -> memref<128x32xf32, #tpu.memory_space<vmem>>
      %dma_start3A_336 = arith.constant 0 : i32
      %dma_start3A_337 = tpu.memref_slice %arg5[%add3A_332, %dma_start3A_336] : memref<200x128xi32, #tpu.memory_space<vmem>> -> memref<1x128xi32, #tpu.memory_space<vmem>>
      %dma_start3A_338 = tpu.memref_squeeze %dma_start3A_337 : memref<1x128xi32, #tpu.memory_space<vmem>> -> memref<128xi32, #tpu.memory_space<vmem>>
      %dma_start3A_339 = arith.constant 0 : i32
      %dma_start3A_340 = arith.constant 0 : i32
      %dma_start3A_341 = tpu.memref_slice %arg2[%dma_start3A_339, %dma_start3A_340] : memref<1000000x32xf32, #tpu.memory_space<hbm>> -> memref<1000000x32xf32, #tpu.memory_space<hbm>>
      tpu.enqueue_indirect_dma source(%dma_start3A_341 : memref<1000000x32xf32, #tpu.memory_space<hbm>>) target(%dma_start3A_335 : memref<128x32xf32, #tpu.memory_space<vmem>>) offsets(%dma_start3A_338 : memref<128xi32, #tpu.memory_space<vmem>>) semaphore(%arg10 : memref<!tpu.dma_semaphore, #tpu.memory_space<semaphore_mem>>)
      %mul3A_342 = arith.constant 5 : i32
      %mul3A_343 = arith.muli %add3A_283, %mul3A_342 : i32
      %add3A_344 = arith.constant 4 : i32
      %add3A_345 = arith.addi %mul3A_343, %add3A_344 : i32
      %dma_start3A_346 = arith.constant 512 : i32
      %dma_start3A_347 = arith.constant 0 : i32
      %dma_start3A_348 = tpu.memref_slice %arg6[%dma_start3A_346, %dma_start3A_347] : memref<640x32xf32, #tpu.memory_space<vmem>> -> memref<128x32xf32, #tpu.memory_space<vmem>>
      %dma_start3A_349 = arith.constant 0 : i32
      %dma_start3A_350 = tpu.memref_slice %arg5[%add3A_345, %dma_start3A_349] : memref<200x128xi32, #tpu.memory_space<vmem>> -> memref<1x128xi32, #tpu.memory_space<vmem>>
      %dma_start3A_351 = tpu.memref_squeeze %dma_start3A_350 : memref<1x128xi32, #tpu.memory_space<vmem>> -> memref<128xi32, #tpu.memory_space<vmem>>
      %dma_start3A_352 = arith.constant 0 : i32
      %dma_start3A_353 = arith.constant 0 : i32
      %dma_start3A_354 = tpu.memref_slice %arg2[%dma_start3A_352, %dma_start3A_353] : memref<1000000x32xf32, #tpu.memory_space<hbm>> -> memref<1000000x32xf32, #tpu.memory_space<hbm>>
      tpu.enqueue_indirect_dma source(%dma_start3A_354 : memref<1000000x32xf32, #tpu.memory_space<hbm>>) target(%dma_start3A_348 : memref<128x32xf32, #tpu.memory_space<vmem>>) offsets(%dma_start3A_351 : memref<128xi32, #tpu.memory_space<vmem>>) semaphore(%arg10 : memref<!tpu.dma_semaphore, #tpu.memory_space<semaphore_mem>>)
      %dma_wait3A_355 = arith.constant 0 : i32
      %dma_wait3A_356 = arith.constant 0 : i32
      %dma_wait3A_357 = tpu.memref_slice %arg2[%dma_wait3A_355, %dma_wait3A_356] : memref<1000000x32xf32, #tpu.memory_space<hbm>> -> memref<640x32xf32, #tpu.memory_space<hbm>>
      %dma_wait3A_358 = arith.constant 0 : i32
      %dma_wait3A_359 = arith.constant 0 : i32
      %dma_wait3A_360 = tpu.memref_slice %arg2[%dma_wait3A_358, %dma_wait3A_359] : memref<1000000x32xf32, #tpu.memory_space<hbm>> -> memref<640x32xf32, #tpu.memory_space<hbm>>
      tpu.wait_dma2 semaphore(%arg13 : memref<!tpu.dma_semaphore, #tpu.memory_space<semaphore_mem>>) src(%dma_wait3A_360 : memref<640x32xf32, #tpu.memory_space<hbm>>) dst(%arg9 : memref<640x32xf32, #tpu.memory_space<vmem>>)
      %sub3A = arith.constant 1 : i32
      %sub3A_361 = arith.subi %add3A_283, %sub3A : i32
      %mul3A_362 = arith.constant 640 : i32
      %mul3A_363 = arith.muli %sub3A_361, %mul3A_362 : i32
      %add3A_364 = arith.addi %mul3A_4, %mul3A_363 : i32
      %dma_start3A_365 = arith.constant 0 : i32
      %dma_start3A_366 = tpu.memref_slice %arg4[%add3A_364, %dma_start3A_365] : memref<819200x32xf32, #tpu.memory_space<hbm>> -> memref<640x32xf32, #tpu.memory_space<hbm>>
      %dma_start3A_367 = arith.constant 0 : i32
      %dma_start3A_368 = tpu.memref_slice %arg4[%add3A_364, %dma_start3A_367] : memref<819200x32xf32, #tpu.memory_space<hbm>> -> memref<640x32xf32, #tpu.memory_space<hbm>>
      tpu.enqueue_dma source(%arg9 : memref<640x32xf32, #tpu.memory_space<vmem>>) target(%dma_start3A_368 : memref<640x32xf32, #tpu.memory_space<hbm>>) target_semaphore(%arg17 : memref<!tpu.dma_semaphore, #tpu.memory_space<semaphore_mem>>)
      %add3A_369 = arith.constant 1 : i32
      %add3A_370 = arith.addi %mul3A_281, %add3A_369 : i32
      %dma_wait3A_371 = arith.constant 0 : i32
      %dma_wait3A_372 = arith.constant 0 : i32
      %dma_wait3A_373 = tpu.memref_slice %arg4[%dma_wait3A_371, %dma_wait3A_372] : memref<819200x32xf32, #tpu.memory_space<hbm>> -> memref<640x32xf32, #tpu.memory_space<hbm>>
      %dma_wait3A_374 = arith.constant 0 : i32
      %dma_wait3A_375 = arith.constant 0 : i32
      %dma_wait3A_376 = tpu.memref_slice %arg4[%dma_wait3A_374, %dma_wait3A_375] : memref<819200x32xf32, #tpu.memory_space<hbm>> -> memref<640x32xf32, #tpu.memory_space<hbm>>
      tpu.wait_dma2 semaphore(%arg15 : memref<!tpu.dma_semaphore, #tpu.memory_space<semaphore_mem>>) src(%arg7 : memref<640x32xf32, #tpu.memory_space<vmem>>) dst(%dma_wait3A_376 : memref<640x32xf32, #tpu.memory_space<hbm>>)
      %mul3A_377 = arith.constant 5 : i32
      %mul3A_378 = arith.muli %add3A_370, %mul3A_377 : i32
      %add3A_379 = arith.constant 0 : i32
      %add3A_380 = arith.addi %mul3A_378, %add3A_379 : i32
      %dma_start3A_381 = arith.constant 0 : i32
      %dma_start3A_382 = arith.constant 0 : i32
      %dma_start3A_383 = tpu.memref_slice %arg7[%dma_start3A_381, %dma_start3A_382] : memref<640x32xf32, #tpu.memory_space<vmem>> -> memref<128x32xf32, #tpu.memory_space<vmem>>
      %dma_start3A_384 = arith.constant 0 : i32
      %dma_start3A_385 = tpu.memref_slice %arg5[%add3A_380, %dma_start3A_384] : memref<200x128xi32, #tpu.memory_space<vmem>> -> memref<1x128xi32, #tpu.memory_space<vmem>>
      %dma_start3A_386 = tpu.memref_squeeze %dma_start3A_385 : memref<1x128xi32, #tpu.memory_space<vmem>> -> memref<128xi32, #tpu.memory_space<vmem>>
      %dma_start3A_387 = arith.constant 0 : i32
      %dma_start3A_388 = arith.constant 0 : i32
      %dma_start3A_389 = tpu.memref_slice %arg2[%dma_start3A_387, %dma_start3A_388] : memref<1000000x32xf32, #tpu.memory_space<hbm>> -> memref<1000000x32xf32, #tpu.memory_space<hbm>>
      tpu.enqueue_indirect_dma source(%dma_start3A_389 : memref<1000000x32xf32, #tpu.memory_space<hbm>>) target(%dma_start3A_383 : memref<128x32xf32, #tpu.memory_space<vmem>>) offsets(%dma_start3A_386 : memref<128xi32, #tpu.memory_space<vmem>>) semaphore(%arg11 : memref<!tpu.dma_semaphore, #tpu.memory_space<semaphore_mem>>)
      %mul3A_390 = arith.constant 5 : i32
      %mul3A_391 = arith.muli %add3A_370, %mul3A_390 : i32
      %add3A_392 = arith.constant 1 : i32
      %add3A_393 = arith.addi %mul3A_391, %add3A_392 : i32
      %dma_start3A_394 = arith.constant 128 : i32
      %dma_start3A_395 = arith.constant 0 : i32
      %dma_start3A_396 = tpu.memref_slice %arg7[%dma_start3A_394, %dma_start3A_395] : memref<640x32xf32, #tpu.memory_space<vmem>> -> memref<128x32xf32, #tpu.memory_space<vmem>>
      %dma_start3A_397 = arith.constant 0 : i32
      %dma_start3A_398 = tpu.memref_slice %arg5[%add3A_393, %dma_start3A_397] : memref<200x128xi32, #tpu.memory_space<vmem>> -> memref<1x128xi32, #tpu.memory_space<vmem>>
      %dma_start3A_399 = tpu.memref_squeeze %dma_start3A_398 : memref<1x128xi32, #tpu.memory_space<vmem>> -> memref<128xi32, #tpu.memory_space<vmem>>
      %dma_start3A_400 = arith.constant 0 : i32
      %dma_start3A_401 = arith.constant 0 : i32
      %dma_start3A_402 = tpu.memref_slice %arg2[%dma_start3A_400, %dma_start3A_401] : memref<1000000x32xf32, #tpu.memory_space<hbm>> -> memref<1000000x32xf32, #tpu.memory_space<hbm>>
      tpu.enqueue_indirect_dma source(%dma_start3A_402 : memref<1000000x32xf32, #tpu.memory_space<hbm>>) target(%dma_start3A_396 : memref<128x32xf32, #tpu.memory_space<vmem>>) offsets(%dma_start3A_399 : memref<128xi32, #tpu.memory_space<vmem>>) semaphore(%arg11 : memref<!tpu.dma_semaphore, #tpu.memory_space<semaphore_mem>>)
      %mul3A_403 = arith.constant 5 : i32
      %mul3A_404 = arith.muli %add3A_370, %mul3A_403 : i32
      %add3A_405 = arith.constant 2 : i32
      %add3A_406 = arith.addi %mul3A_404, %add3A_405 : i32
      %dma_start3A_407 = arith.constant 256 : i32
      %dma_start3A_408 = arith.constant 0 : i32
      %dma_start3A_409 = tpu.memref_slice %arg7[%dma_start3A_407, %dma_start3A_408] : memref<640x32xf32, #tpu.memory_space<vmem>> -> memref<128x32xf32, #tpu.memory_space<vmem>>
      %dma_start3A_410 = arith.constant 0 : i32
      %dma_start3A_411 = tpu.memref_slice %arg5[%add3A_406, %dma_start3A_410] : memref<200x128xi32, #tpu.memory_space<vmem>> -> memref<1x128xi32, #tpu.memory_space<vmem>>
      %dma_start3A_412 = tpu.memref_squeeze %dma_start3A_411 : memref<1x128xi32, #tpu.memory_space<vmem>> -> memref<128xi32, #tpu.memory_space<vmem>>
      %dma_start3A_413 = arith.constant 0 : i32
      %dma_start3A_414 = arith.constant 0 : i32
      %dma_start3A_415 = tpu.memref_slice %arg2[%dma_start3A_413, %dma_start3A_414] : memref<1000000x32xf32, #tpu.memory_space<hbm>> -> memref<1000000x32xf32, #tpu.memory_space<hbm>>
      tpu.enqueue_indirect_dma source(%dma_start3A_415 : memref<1000000x32xf32, #tpu.memory_space<hbm>>) target(%dma_start3A_409 : memref<128x32xf32, #tpu.memory_space<vmem>>) offsets(%dma_start3A_412 : memref<128xi32, #tpu.memory_space<vmem>>) semaphore(%arg11 : memref<!tpu.dma_semaphore, #tpu.memory_space<semaphore_mem>>)
      %mul3A_416 = arith.constant 5 : i32
      %mul3A_417 = arith.muli %add3A_370, %mul3A_416 : i32
      %add3A_418 = arith.constant 3 : i32
      %add3A_419 = arith.addi %mul3A_417, %add3A_418 : i32
      %dma_start3A_420 = arith.constant 384 : i32
      %dma_start3A_421 = arith.constant 0 : i32
      %dma_start3A_422 = tpu.memref_slice %arg7[%dma_start3A_420, %dma_start3A_421] : memref<640x32xf32, #tpu.memory_space<vmem>> -> memref<128x32xf32, #tpu.memory_space<vmem>>
      %dma_start3A_423 = arith.constant 0 : i32
      %dma_start3A_424 = tpu.memref_slice %arg5[%add3A_419, %dma_start3A_423] : memref<200x128xi32, #tpu.memory_space<vmem>> -> memref<1x128xi32, #tpu.memory_space<vmem>>
      %dma_start3A_425 = tpu.memref_squeeze %dma_start3A_424 : memref<1x128xi32, #tpu.memory_space<vmem>> -> memref<128xi32, #tpu.memory_space<vmem>>
      %dma_start3A_426 = arith.constant 0 : i32
      %dma_start3A_427 = arith.constant 0 : i32
      %dma_start3A_428 = tpu.memref_slice %arg2[%dma_start3A_426, %dma_start3A_427] : memref<1000000x32xf32, #tpu.memory_space<hbm>> -> memref<1000000x32xf32, #tpu.memory_space<hbm>>
      tpu.enqueue_indirect_dma source(%dma_start3A_428 : memref<1000000x32xf32, #tpu.memory_space<hbm>>) target(%dma_start3A_422 : memref<128x32xf32, #tpu.memory_space<vmem>>) offsets(%dma_start3A_425 : memref<128xi32, #tpu.memory_space<vmem>>) semaphore(%arg11 : memref<!tpu.dma_semaphore, #tpu.memory_space<semaphore_mem>>)
      %mul3A_429 = arith.constant 5 : i32
      %mul3A_430 = arith.muli %add3A_370, %mul3A_429 : i32
      %add3A_431 = arith.constant 4 : i32
      %add3A_432 = arith.addi %mul3A_430, %add3A_431 : i32
      %dma_start3A_433 = arith.constant 512 : i32
      %dma_start3A_434 = arith.constant 0 : i32
      %dma_start3A_435 = tpu.memref_slice %arg7[%dma_start3A_433, %dma_start3A_434] : memref<640x32xf32, #tpu.memory_space<vmem>> -> memref<128x32xf32, #tpu.memory_space<vmem>>
      %dma_start3A_436 = arith.constant 0 : i32
      %dma_start3A_437 = tpu.memref_slice %arg5[%add3A_432, %dma_start3A_436] : memref<200x128xi32, #tpu.memory_space<vmem>> -> memref<1x128xi32, #tpu.memory_space<vmem>>
      %dma_start3A_438 = tpu.memref_squeeze %dma_start3A_437 : memref<1x128xi32, #tpu.memory_space<vmem>> -> memref<128xi32, #tpu.memory_space<vmem>>
      %dma_start3A_439 = arith.constant 0 : i32
      %dma_start3A_440 = arith.constant 0 : i32
      %dma_start3A_441 = tpu.memref_slice %arg2[%dma_start3A_439, %dma_start3A_440] : memref<1000000x32xf32, #tpu.memory_space<hbm>> -> memref<1000000x32xf32, #tpu.memory_space<hbm>>
      tpu.enqueue_indirect_dma source(%dma_start3A_441 : memref<1000000x32xf32, #tpu.memory_space<hbm>>) target(%dma_start3A_435 : memref<128x32xf32, #tpu.memory_space<vmem>>) offsets(%dma_start3A_438 : memref<128xi32, #tpu.memory_space<vmem>>) semaphore(%arg11 : memref<!tpu.dma_semaphore, #tpu.memory_space<semaphore_mem>>)
      %dma_wait3A_442 = arith.constant 0 : i32
      %dma_wait3A_443 = arith.constant 0 : i32
      %dma_wait3A_444 = tpu.memref_slice %arg2[%dma_wait3A_442, %dma_wait3A_443] : memref<1000000x32xf32, #tpu.memory_space<hbm>> -> memref<640x32xf32, #tpu.memory_space<hbm>>
      %dma_wait3A_445 = arith.constant 0 : i32
      %dma_wait3A_446 = arith.constant 0 : i32
      %dma_wait3A_447 = tpu.memref_slice %arg2[%dma_wait3A_445, %dma_wait3A_446] : memref<1000000x32xf32, #tpu.memory_space<hbm>> -> memref<640x32xf32, #tpu.memory_space<hbm>>
      tpu.wait_dma2 semaphore(%arg10 : memref<!tpu.dma_semaphore, #tpu.memory_space<semaphore_mem>>) src(%dma_wait3A_447 : memref<640x32xf32, #tpu.memory_space<hbm>>) dst(%arg6 : memref<640x32xf32, #tpu.memory_space<vmem>>)
      %sub3A_448 = arith.constant 1 : i32
      %sub3A_449 = arith.subi %add3A_370, %sub3A_448 : i32
      %mul3A_450 = arith.constant 640 : i32
      %mul3A_451 = arith.muli %sub3A_449, %mul3A_450 : i32
      %add3A_452 = arith.addi %mul3A_4, %mul3A_451 : i32
      %dma_start3A_453 = arith.constant 0 : i32
      %dma_start3A_454 = tpu.memref_slice %arg4[%add3A_452, %dma_start3A_453] : memref<819200x32xf32, #tpu.memory_space<hbm>> -> memref<640x32xf32, #tpu.memory_space<hbm>>
      %dma_start3A_455 = arith.constant 0 : i32
      %dma_start3A_456 = tpu.memref_slice %arg4[%add3A_452, %dma_start3A_455] : memref<819200x32xf32, #tpu.memory_space<hbm>> -> memref<640x32xf32, #tpu.memory_space<hbm>>
      tpu.enqueue_dma source(%arg6 : memref<640x32xf32, #tpu.memory_space<vmem>>) target(%dma_start3A_456 : memref<640x32xf32, #tpu.memory_space<hbm>>) target_semaphore(%arg14 : memref<!tpu.dma_semaphore, #tpu.memory_space<semaphore_mem>>)
      %add3A_457 = arith.constant 2 : i32
      %add3A_458 = arith.addi %mul3A_281, %add3A_457 : i32
      %dma_wait3A_459 = arith.constant 0 : i32
      %dma_wait3A_460 = arith.constant 0 : i32
      %dma_wait3A_461 = tpu.memref_slice %arg4[%dma_wait3A_459, %dma_wait3A_460] : memref<819200x32xf32, #tpu.memory_space<hbm>> -> memref<640x32xf32, #tpu.memory_space<hbm>>
      %dma_wait3A_462 = arith.constant 0 : i32
      %dma_wait3A_463 = arith.constant 0 : i32
      %dma_wait3A_464 = tpu.memref_slice %arg4[%dma_wait3A_462, %dma_wait3A_463] : memref<819200x32xf32, #tpu.memory_space<hbm>> -> memref<640x32xf32, #tpu.memory_space<hbm>>
      tpu.wait_dma2 semaphore(%arg16 : memref<!tpu.dma_semaphore, #tpu.memory_space<semaphore_mem>>) src(%arg8 : memref<640x32xf32, #tpu.memory_space<vmem>>) dst(%dma_wait3A_464 : memref<640x32xf32, #tpu.memory_space<hbm>>)
      %mul3A_465 = arith.constant 5 : i32
      %mul3A_466 = arith.muli %add3A_458, %mul3A_465 : i32
      %add3A_467 = arith.constant 0 : i32
      %add3A_468 = arith.addi %mul3A_466, %add3A_467 : i32
      %dma_start3A_469 = arith.constant 0 : i32
      %dma_start3A_470 = arith.constant 0 : i32
      %dma_start3A_471 = tpu.memref_slice %arg8[%dma_start3A_469, %dma_start3A_470] : memref<640x32xf32, #tpu.memory_space<vmem>> -> memref<128x32xf32, #tpu.memory_space<vmem>>
      %dma_start3A_472 = arith.constant 0 : i32
      %dma_start3A_473 = tpu.memref_slice %arg5[%add3A_468, %dma_start3A_472] : memref<200x128xi32, #tpu.memory_space<vmem>> -> memref<1x128xi32, #tpu.memory_space<vmem>>
      %dma_start3A_474 = tpu.memref_squeeze %dma_start3A_473 : memref<1x128xi32, #tpu.memory_space<vmem>> -> memref<128xi32, #tpu.memory_space<vmem>>
      %dma_start3A_475 = arith.constant 0 : i32
      %dma_start3A_476 = arith.constant 0 : i32
      %dma_start3A_477 = tpu.memref_slice %arg2[%dma_start3A_475, %dma_start3A_476] : memref<1000000x32xf32, #tpu.memory_space<hbm>> -> memref<1000000x32xf32, #tpu.memory_space<hbm>>
      tpu.enqueue_indirect_dma source(%dma_start3A_477 : memref<1000000x32xf32, #tpu.memory_space<hbm>>) target(%dma_start3A_471 : memref<128x32xf32, #tpu.memory_space<vmem>>) offsets(%dma_start3A_474 : memref<128xi32, #tpu.memory_space<vmem>>) semaphore(%arg12 : memref<!tpu.dma_semaphore, #tpu.memory_space<semaphore_mem>>)
      %mul3A_478 = arith.constant 5 : i32
      %mul3A_479 = arith.muli %add3A_458, %mul3A_478 : i32
      %add3A_480 = arith.constant 1 : i32
      %add3A_481 = arith.addi %mul3A_479, %add3A_480 : i32
      %dma_start3A_482 = arith.constant 128 : i32
      %dma_start3A_483 = arith.constant 0 : i32
      %dma_start3A_484 = tpu.memref_slice %arg8[%dma_start3A_482, %dma_start3A_483] : memref<640x32xf32, #tpu.memory_space<vmem>> -> memref<128x32xf32, #tpu.memory_space<vmem>>
      %dma_start3A_485 = arith.constant 0 : i32
      %dma_start3A_486 = tpu.memref_slice %arg5[%add3A_481, %dma_start3A_485] : memref<200x128xi32, #tpu.memory_space<vmem>> -> memref<1x128xi32, #tpu.memory_space<vmem>>
      %dma_start3A_487 = tpu.memref_squeeze %dma_start3A_486 : memref<1x128xi32, #tpu.memory_space<vmem>> -> memref<128xi32, #tpu.memory_space<vmem>>
      %dma_start3A_488 = arith.constant 0 : i32
      %dma_start3A_489 = arith.constant 0 : i32
      %dma_start3A_490 = tpu.memref_slice %arg2[%dma_start3A_488, %dma_start3A_489] : memref<1000000x32xf32, #tpu.memory_space<hbm>> -> memref<1000000x32xf32, #tpu.memory_space<hbm>>
      tpu.enqueue_indirect_dma source(%dma_start3A_490 : memref<1000000x32xf32, #tpu.memory_space<hbm>>) target(%dma_start3A_484 : memref<128x32xf32, #tpu.memory_space<vmem>>) offsets(%dma_start3A_487 : memref<128xi32, #tpu.memory_space<vmem>>) semaphore(%arg12 : memref<!tpu.dma_semaphore, #tpu.memory_space<semaphore_mem>>)
      %mul3A_491 = arith.constant 5 : i32
      %mul3A_492 = arith.muli %add3A_458, %mul3A_491 : i32
      %add3A_493 = arith.constant 2 : i32
      %add3A_494 = arith.addi %mul3A_492, %add3A_493 : i32
      %dma_start3A_495 = arith.constant 256 : i32
      %dma_start3A_496 = arith.constant 0 : i32
      %dma_start3A_497 = tpu.memref_slice %arg8[%dma_start3A_495, %dma_start3A_496] : memref<640x32xf32, #tpu.memory_space<vmem>> -> memref<128x32xf32, #tpu.memory_space<vmem>>
      %dma_start3A_498 = arith.constant 0 : i32
      %dma_start3A_499 = tpu.memref_slice %arg5[%add3A_494, %dma_start3A_498] : memref<200x128xi32, #tpu.memory_space<vmem>> -> memref<1x128xi32, #tpu.memory_space<vmem>>
      %dma_start3A_500 = tpu.memref_squeeze %dma_start3A_499 : memref<1x128xi32, #tpu.memory_space<vmem>> -> memref<128xi32, #tpu.memory_space<vmem>>
      %dma_start3A_501 = arith.constant 0 : i32
      %dma_start3A_502 = arith.constant 0 : i32
      %dma_start3A_503 = tpu.memref_slice %arg2[%dma_start3A_501, %dma_start3A_502] : memref<1000000x32xf32, #tpu.memory_space<hbm>> -> memref<1000000x32xf32, #tpu.memory_space<hbm>>
      tpu.enqueue_indirect_dma source(%dma_start3A_503 : memref<1000000x32xf32, #tpu.memory_space<hbm>>) target(%dma_start3A_497 : memref<128x32xf32, #tpu.memory_space<vmem>>) offsets(%dma_start3A_500 : memref<128xi32, #tpu.memory_space<vmem>>) semaphore(%arg12 : memref<!tpu.dma_semaphore, #tpu.memory_space<semaphore_mem>>)
      %mul3A_504 = arith.constant 5 : i32
      %mul3A_505 = arith.muli %add3A_458, %mul3A_504 : i32
      %add3A_506 = arith.constant 3 : i32
      %add3A_507 = arith.addi %mul3A_505, %add3A_506 : i32
      %dma_start3A_508 = arith.constant 384 : i32
      %dma_start3A_509 = arith.constant 0 : i32
      %dma_start3A_510 = tpu.memref_slice %arg8[%dma_start3A_508, %dma_start3A_509] : memref<640x32xf32, #tpu.memory_space<vmem>> -> memref<128x32xf32, #tpu.memory_space<vmem>>
      %dma_start3A_511 = arith.constant 0 : i32
      %dma_start3A_512 = tpu.memref_slice %arg5[%add3A_507, %dma_start3A_511] : memref<200x128xi32, #tpu.memory_space<vmem>> -> memref<1x128xi32, #tpu.memory_space<vmem>>
      %dma_start3A_513 = tpu.memref_squeeze %dma_start3A_512 : memref<1x128xi32, #tpu.memory_space<vmem>> -> memref<128xi32, #tpu.memory_space<vmem>>
      %dma_start3A_514 = arith.constant 0 : i32
      %dma_start3A_515 = arith.constant 0 : i32
      %dma_start3A_516 = tpu.memref_slice %arg2[%dma_start3A_514, %dma_start3A_515] : memref<1000000x32xf32, #tpu.memory_space<hbm>> -> memref<1000000x32xf32, #tpu.memory_space<hbm>>
      tpu.enqueue_indirect_dma source(%dma_start3A_516 : memref<1000000x32xf32, #tpu.memory_space<hbm>>) target(%dma_start3A_510 : memref<128x32xf32, #tpu.memory_space<vmem>>) offsets(%dma_start3A_513 : memref<128xi32, #tpu.memory_space<vmem>>) semaphore(%arg12 : memref<!tpu.dma_semaphore, #tpu.memory_space<semaphore_mem>>)
      %mul3A_517 = arith.constant 5 : i32
      %mul3A_518 = arith.muli %add3A_458, %mul3A_517 : i32
      %add3A_519 = arith.constant 4 : i32
      %add3A_520 = arith.addi %mul3A_518, %add3A_519 : i32
      %dma_start3A_521 = arith.constant 512 : i32
      %dma_start3A_522 = arith.constant 0 : i32
      %dma_start3A_523 = tpu.memref_slice %arg8[%dma_start3A_521, %dma_start3A_522] : memref<640x32xf32, #tpu.memory_space<vmem>> -> memref<128x32xf32, #tpu.memory_space<vmem>>
      %dma_start3A_524 = arith.constant 0 : i32
      %dma_start3A_525 = tpu.memref_slice %arg5[%add3A_520, %dma_start3A_524] : memref<200x128xi32, #tpu.memory_space<vmem>> -> memref<1x128xi32, #tpu.memory_space<vmem>>
      %dma_start3A_526 = tpu.memref_squeeze %dma_start3A_525 : memref<1x128xi32, #tpu.memory_space<vmem>> -> memref<128xi32, #tpu.memory_space<vmem>>
      %dma_start3A_527 = arith.constant 0 : i32
      %dma_start3A_528 = arith.constant 0 : i32
      %dma_start3A_529 = tpu.memref_slice %arg2[%dma_start3A_527, %dma_start3A_528] : memref<1000000x32xf32, #tpu.memory_space<hbm>> -> memref<1000000x32xf32, #tpu.memory_space<hbm>>
      tpu.enqueue_indirect_dma source(%dma_start3A_529 : memref<1000000x32xf32, #tpu.memory_space<hbm>>) target(%dma_start3A_523 : memref<128x32xf32, #tpu.memory_space<vmem>>) offsets(%dma_start3A_526 : memref<128xi32, #tpu.memory_space<vmem>>) semaphore(%arg12 : memref<!tpu.dma_semaphore, #tpu.memory_space<semaphore_mem>>)
      %dma_wait3A_530 = arith.constant 0 : i32
      %dma_wait3A_531 = arith.constant 0 : i32
      %dma_wait3A_532 = tpu.memref_slice %arg2[%dma_wait3A_530, %dma_wait3A_531] : memref<1000000x32xf32, #tpu.memory_space<hbm>> -> memref<640x32xf32, #tpu.memory_space<hbm>>
      %dma_wait3A_533 = arith.constant 0 : i32
      %dma_wait3A_534 = arith.constant 0 : i32
      %dma_wait3A_535 = tpu.memref_slice %arg2[%dma_wait3A_533, %dma_wait3A_534] : memref<1000000x32xf32, #tpu.memory_space<hbm>> -> memref<640x32xf32, #tpu.memory_space<hbm>>
      tpu.wait_dma2 semaphore(%arg11 : memref<!tpu.dma_semaphore, #tpu.memory_space<semaphore_mem>>) src(%dma_wait3A_535 : memref<640x32xf32, #tpu.memory_space<hbm>>) dst(%arg7 : memref<640x32xf32, #tpu.memory_space<vmem>>)
      %sub3A_536 = arith.constant 1 : i32
      %sub3A_537 = arith.subi %add3A_458, %sub3A_536 : i32
      %mul3A_538 = arith.constant 640 : i32
      %mul3A_539 = arith.muli %sub3A_537, %mul3A_538 : i32
      %add3A_540 = arith.addi %mul3A_4, %mul3A_539 : i32
      %dma_start3A_541 = arith.constant 0 : i32
      %dma_start3A_542 = tpu.memref_slice %arg4[%add3A_540, %dma_start3A_541] : memref<819200x32xf32, #tpu.memory_space<hbm>> -> memref<640x32xf32, #tpu.memory_space<hbm>>
      %dma_start3A_543 = arith.constant 0 : i32
      %dma_start3A_544 = tpu.memref_slice %arg4[%add3A_540, %dma_start3A_543] : memref<819200x32xf32, #tpu.memory_space<hbm>> -> memref<640x32xf32, #tpu.memory_space<hbm>>
      tpu.enqueue_dma source(%arg7 : memref<640x32xf32, #tpu.memory_space<vmem>>) target(%dma_start3A_544 : memref<640x32xf32, #tpu.memory_space<hbm>>) target_semaphore(%arg15 : memref<!tpu.dma_semaphore, #tpu.memory_space<semaphore_mem>>)
      %add3A_545 = arith.constant 3 : i32
      %add3A_546 = arith.addi %mul3A_281, %add3A_545 : i32
      %dma_wait3A_547 = arith.constant 0 : i32
      %dma_wait3A_548 = arith.constant 0 : i32
      %dma_wait3A_549 = tpu.memref_slice %arg4[%dma_wait3A_547, %dma_wait3A_548] : memref<819200x32xf32, #tpu.memory_space<hbm>> -> memref<640x32xf32, #tpu.memory_space<hbm>>
      %dma_wait3A_550 = arith.constant 0 : i32
      %dma_wait3A_551 = arith.constant 0 : i32
      %dma_wait3A_552 = tpu.memref_slice %arg4[%dma_wait3A_550, %dma_wait3A_551] : memref<819200x32xf32, #tpu.memory_space<hbm>> -> memref<640x32xf32, #tpu.memory_space<hbm>>
      tpu.wait_dma2 semaphore(%arg17 : memref<!tpu.dma_semaphore, #tpu.memory_space<semaphore_mem>>) src(%arg9 : memref<640x32xf32, #tpu.memory_space<vmem>>) dst(%dma_wait3A_552 : memref<640x32xf32, #tpu.memory_space<hbm>>)
      %mul3A_553 = arith.constant 5 : i32
      %mul3A_554 = arith.muli %add3A_546, %mul3A_553 : i32
      %add3A_555 = arith.constant 0 : i32
      %add3A_556 = arith.addi %mul3A_554, %add3A_555 : i32
      %dma_start3A_557 = arith.constant 0 : i32
      %dma_start3A_558 = arith.constant 0 : i32
      %dma_start3A_559 = tpu.memref_slice %arg9[%dma_start3A_557, %dma_start3A_558] : memref<640x32xf32, #tpu.memory_space<vmem>> -> memref<128x32xf32, #tpu.memory_space<vmem>>
      %dma_start3A_560 = arith.constant 0 : i32
      %dma_start3A_561 = tpu.memref_slice %arg5[%add3A_556, %dma_start3A_560] : memref<200x128xi32, #tpu.memory_space<vmem>> -> memref<1x128xi32, #tpu.memory_space<vmem>>
      %dma_start3A_562 = tpu.memref_squeeze %dma_start3A_561 : memref<1x128xi32, #tpu.memory_space<vmem>> -> memref<128xi32, #tpu.memory_space<vmem>>
      %dma_start3A_563 = arith.constant 0 : i32
      %dma_start3A_564 = arith.constant 0 : i32
      %dma_start3A_565 = tpu.memref_slice %arg2[%dma_start3A_563, %dma_start3A_564] : memref<1000000x32xf32, #tpu.memory_space<hbm>> -> memref<1000000x32xf32, #tpu.memory_space<hbm>>
      tpu.enqueue_indirect_dma source(%dma_start3A_565 : memref<1000000x32xf32, #tpu.memory_space<hbm>>) target(%dma_start3A_559 : memref<128x32xf32, #tpu.memory_space<vmem>>) offsets(%dma_start3A_562 : memref<128xi32, #tpu.memory_space<vmem>>) semaphore(%arg13 : memref<!tpu.dma_semaphore, #tpu.memory_space<semaphore_mem>>)
      %mul3A_566 = arith.constant 5 : i32
      %mul3A_567 = arith.muli %add3A_546, %mul3A_566 : i32
      %add3A_568 = arith.constant 1 : i32
      %add3A_569 = arith.addi %mul3A_567, %add3A_568 : i32
      %dma_start3A_570 = arith.constant 128 : i32
      %dma_start3A_571 = arith.constant 0 : i32
      %dma_start3A_572 = tpu.memref_slice %arg9[%dma_start3A_570, %dma_start3A_571] : memref<640x32xf32, #tpu.memory_space<vmem>> -> memref<128x32xf32, #tpu.memory_space<vmem>>
      %dma_start3A_573 = arith.constant 0 : i32
      %dma_start3A_574 = tpu.memref_slice %arg5[%add3A_569, %dma_start3A_573] : memref<200x128xi32, #tpu.memory_space<vmem>> -> memref<1x128xi32, #tpu.memory_space<vmem>>
      %dma_start3A_575 = tpu.memref_squeeze %dma_start3A_574 : memref<1x128xi32, #tpu.memory_space<vmem>> -> memref<128xi32, #tpu.memory_space<vmem>>
      %dma_start3A_576 = arith.constant 0 : i32
      %dma_start3A_577 = arith.constant 0 : i32
      %dma_start3A_578 = tpu.memref_slice %arg2[%dma_start3A_576, %dma_start3A_577] : memref<1000000x32xf32, #tpu.memory_space<hbm>> -> memref<1000000x32xf32, #tpu.memory_space<hbm>>
      tpu.enqueue_indirect_dma source(%dma_start3A_578 : memref<1000000x32xf32, #tpu.memory_space<hbm>>) target(%dma_start3A_572 : memref<128x32xf32, #tpu.memory_space<vmem>>) offsets(%dma_start3A_575 : memref<128xi32, #tpu.memory_space<vmem>>) semaphore(%arg13 : memref<!tpu.dma_semaphore, #tpu.memory_space<semaphore_mem>>)
      %mul3A_579 = arith.constant 5 : i32
      %mul3A_580 = arith.muli %add3A_546, %mul3A_579 : i32
      %add3A_581 = arith.constant 2 : i32
      %add3A_582 = arith.addi %mul3A_580, %add3A_581 : i32
      %dma_start3A_583 = arith.constant 256 : i32
      %dma_start3A_584 = arith.constant 0 : i32
      %dma_start3A_585 = tpu.memref_slice %arg9[%dma_start3A_583, %dma_start3A_584] : memref<640x32xf32, #tpu.memory_space<vmem>> -> memref<128x32xf32, #tpu.memory_space<vmem>>
      %dma_start3A_586 = arith.constant 0 : i32
      %dma_start3A_587 = tpu.memref_slice %arg5[%add3A_582, %dma_start3A_586] : memref<200x128xi32, #tpu.memory_space<vmem>> -> memref<1x128xi32, #tpu.memory_space<vmem>>
      %dma_start3A_588 = tpu.memref_squeeze %dma_start3A_587 : memref<1x128xi32, #tpu.memory_space<vmem>> -> memref<128xi32, #tpu.memory_space<vmem>>
      %dma_start3A_589 = arith.constant 0 : i32
      %dma_start3A_590 = arith.constant 0 : i32
      %dma_start3A_591 = tpu.memref_slice %arg2[%dma_start3A_589, %dma_start3A_590] : memref<1000000x32xf32, #tpu.memory_space<hbm>> -> memref<1000000x32xf32, #tpu.memory_space<hbm>>
      tpu.enqueue_indirect_dma source(%dma_start3A_591 : memref<1000000x32xf32, #tpu.memory_space<hbm>>) target(%dma_start3A_585 : memref<128x32xf32, #tpu.memory_space<vmem>>) offsets(%dma_start3A_588 : memref<128xi32, #tpu.memory_space<vmem>>) semaphore(%arg13 : memref<!tpu.dma_semaphore, #tpu.memory_space<semaphore_mem>>)
      %mul3A_592 = arith.constant 5 : i32
      %mul3A_593 = arith.muli %add3A_546, %mul3A_592 : i32
      %add3A_594 = arith.constant 3 : i32
      %add3A_595 = arith.addi %mul3A_593, %add3A_594 : i32
      %dma_start3A_596 = arith.constant 384 : i32
      %dma_start3A_597 = arith.constant 0 : i32
      %dma_start3A_598 = tpu.memref_slice %arg9[%dma_start3A_596, %dma_start3A_597] : memref<640x32xf32, #tpu.memory_space<vmem>> -> memref<128x32xf32, #tpu.memory_space<vmem>>
      %dma_start3A_599 = arith.constant 0 : i32
      %dma_start3A_600 = tpu.memref_slice %arg5[%add3A_595, %dma_start3A_599] : memref<200x128xi32, #tpu.memory_space<vmem>> -> memref<1x128xi32, #tpu.memory_space<vmem>>
      %dma_start3A_601 = tpu.memref_squeeze %dma_start3A_600 : memref<1x128xi32, #tpu.memory_space<vmem>> -> memref<128xi32, #tpu.memory_space<vmem>>
      %dma_start3A_602 = arith.constant 0 : i32
      %dma_start3A_603 = arith.constant 0 : i32
      %dma_start3A_604 = tpu.memref_slice %arg2[%dma_start3A_602, %dma_start3A_603] : memref<1000000x32xf32, #tpu.memory_space<hbm>> -> memref<1000000x32xf32, #tpu.memory_space<hbm>>
      tpu.enqueue_indirect_dma source(%dma_start3A_604 : memref<1000000x32xf32, #tpu.memory_space<hbm>>) target(%dma_start3A_598 : memref<128x32xf32, #tpu.memory_space<vmem>>) offsets(%dma_start3A_601 : memref<128xi32, #tpu.memory_space<vmem>>) semaphore(%arg13 : memref<!tpu.dma_semaphore, #tpu.memory_space<semaphore_mem>>)
      %mul3A_605 = arith.constant 5 : i32
      %mul3A_606 = arith.muli %add3A_546, %mul3A_605 : i32
      %add3A_607 = arith.constant 4 : i32
      %add3A_608 = arith.addi %mul3A_606, %add3A_607 : i32
      %dma_start3A_609 = arith.constant 512 : i32
      %dma_start3A_610 = arith.constant 0 : i32
      %dma_start3A_611 = tpu.memref_slice %arg9[%dma_start3A_609, %dma_start3A_610] : memref<640x32xf32, #tpu.memory_space<vmem>> -> memref<128x32xf32, #tpu.memory_space<vmem>>
      %dma_start3A_612 = arith.constant 0 : i32
      %dma_start3A_613 = tpu.memref_slice %arg5[%add3A_608, %dma_start3A_612] : memref<200x128xi32, #tpu.memory_space<vmem>> -> memref<1x128xi32, #tpu.memory_space<vmem>>
      %dma_start3A_614 = tpu.memref_squeeze %dma_start3A_613 : memref<1x128xi32, #tpu.memory_space<vmem>> -> memref<128xi32, #tpu.memory_space<vmem>>
      %dma_start3A_615 = arith.constant 0 : i32
      %dma_start3A_616 = arith.constant 0 : i32
      %dma_start3A_617 = tpu.memref_slice %arg2[%dma_start3A_615, %dma_start3A_616] : memref<1000000x32xf32, #tpu.memory_space<hbm>> -> memref<1000000x32xf32, #tpu.memory_space<hbm>>
      tpu.enqueue_indirect_dma source(%dma_start3A_617 : memref<1000000x32xf32, #tpu.memory_space<hbm>>) target(%dma_start3A_611 : memref<128x32xf32, #tpu.memory_space<vmem>>) offsets(%dma_start3A_614 : memref<128xi32, #tpu.memory_space<vmem>>) semaphore(%arg13 : memref<!tpu.dma_semaphore, #tpu.memory_space<semaphore_mem>>)
      %dma_wait3A_618 = arith.constant 0 : i32
      %dma_wait3A_619 = arith.constant 0 : i32
      %dma_wait3A_620 = tpu.memref_slice %arg2[%dma_wait3A_618, %dma_wait3A_619] : memref<1000000x32xf32, #tpu.memory_space<hbm>> -> memref<640x32xf32, #tpu.memory_space<hbm>>
      %dma_wait3A_621 = arith.constant 0 : i32
      %dma_wait3A_622 = arith.constant 0 : i32
      %dma_wait3A_623 = tpu.memref_slice %arg2[%dma_wait3A_621, %dma_wait3A_622] : memref<1000000x32xf32, #tpu.memory_space<hbm>> -> memref<640x32xf32, #tpu.memory_space<hbm>>
      tpu.wait_dma2 semaphore(%arg12 : memref<!tpu.dma_semaphore, #tpu.memory_space<semaphore_mem>>) src(%dma_wait3A_623 : memref<640x32xf32, #tpu.memory_space<hbm>>) dst(%arg8 : memref<640x32xf32, #tpu.memory_space<vmem>>)
      %sub3A_624 = arith.constant 1 : i32
      %sub3A_625 = arith.subi %add3A_546, %sub3A_624 : i32
      %mul3A_626 = arith.constant 640 : i32
      %mul3A_627 = arith.muli %sub3A_625, %mul3A_626 : i32
      %add3A_628 = arith.addi %mul3A_4, %mul3A_627 : i32
      %dma_start3A_629 = arith.constant 0 : i32
      %dma_start3A_630 = tpu.memref_slice %arg4[%add3A_628, %dma_start3A_629] : memref<819200x32xf32, #tpu.memory_space<hbm>> -> memref<640x32xf32, #tpu.memory_space<hbm>>
      %dma_start3A_631 = arith.constant 0 : i32
      %dma_start3A_632 = tpu.memref_slice %arg4[%add3A_628, %dma_start3A_631] : memref<819200x32xf32, #tpu.memory_space<hbm>> -> memref<640x32xf32, #tpu.memory_space<hbm>>
      tpu.enqueue_dma source(%arg8 : memref<640x32xf32, #tpu.memory_space<vmem>>) target(%dma_start3A_632 : memref<640x32xf32, #tpu.memory_space<hbm>>) target_semaphore(%arg16 : memref<!tpu.dma_semaphore, #tpu.memory_space<semaphore_mem>>)
    }
    %scan3A_242 = arith.constant 9 : i32
    %dma_wait3A_243 = arith.constant 0 : i32
    %dma_wait3A_244 = arith.constant 0 : i32
    %dma_wait3A_245 = tpu.memref_slice %arg2[%dma_wait3A_243, %dma_wait3A_244] : memref<1000000x32xf32, #tpu.memory_space<hbm>> -> memref<640x32xf32, #tpu.memory_space<hbm>>
    %dma_wait3A_246 = arith.constant 0 : i32
    %dma_wait3A_247 = arith.constant 0 : i32
    %dma_wait3A_248 = tpu.memref_slice %arg2[%dma_wait3A_246, %dma_wait3A_247] : memref<1000000x32xf32, #tpu.memory_space<hbm>> -> memref<640x32xf32, #tpu.memory_space<hbm>>
    tpu.wait_dma2 semaphore(%arg13 : memref<!tpu.dma_semaphore, #tpu.memory_space<semaphore_mem>>) src(%dma_wait3A_248 : memref<640x32xf32, #tpu.memory_space<hbm>>) dst(%arg9 : memref<640x32xf32, #tpu.memory_space<vmem>>)
    %add3A_249 = arith.constant 24960 : i32
    %add3A_250 = arith.addi %mul3A_4, %add3A_249 : i32
    %dma_start3A_251 = arith.constant 0 : i32
    %dma_start3A_252 = tpu.memref_slice %arg4[%add3A_250, %dma_start3A_251] : memref<819200x32xf32, #tpu.memory_space<hbm>> -> memref<640x32xf32, #tpu.memory_space<hbm>>
    %dma_start3A_253 = arith.constant 0 : i32
    %dma_start3A_254 = tpu.memref_slice %arg4[%add3A_250, %dma_start3A_253] : memref<819200x32xf32, #tpu.memory_space<hbm>> -> memref<640x32xf32, #tpu.memory_space<hbm>>
    tpu.enqueue_dma source(%arg9 : memref<640x32xf32, #tpu.memory_space<vmem>>) target(%dma_start3A_254 : memref<640x32xf32, #tpu.memory_space<hbm>>) target_semaphore(%arg17 : memref<!tpu.dma_semaphore, #tpu.memory_space<semaphore_mem>>)
    %dma_wait3A_255 = arith.constant 0 : i32
    %dma_wait3A_256 = arith.constant 0 : i32
    %dma_wait3A_257 = tpu.memref_slice %arg4[%dma_wait3A_255, %dma_wait3A_256] : memref<819200x32xf32, #tpu.memory_space<hbm>> -> memref<640x32xf32, #tpu.memory_space<hbm>>
    %dma_wait3A_258 = arith.constant 0 : i32
    %dma_wait3A_259 = arith.constant 0 : i32
    %dma_wait3A_260 = tpu.memref_slice %arg4[%dma_wait3A_258, %dma_wait3A_259] : memref<819200x32xf32, #tpu.memory_space<hbm>> -> memref<640x32xf32, #tpu.memory_space<hbm>>
    tpu.wait_dma2 semaphore(%arg14 : memref<!tpu.dma_semaphore, #tpu.memory_space<semaphore_mem>>) src(%arg6 : memref<640x32xf32, #tpu.memory_space<vmem>>) dst(%dma_wait3A_260 : memref<640x32xf32, #tpu.memory_space<hbm>>)
    %dma_wait3A_261 = arith.constant 0 : i32
    %dma_wait3A_262 = arith.constant 0 : i32
    %dma_wait3A_263 = tpu.memref_slice %arg4[%dma_wait3A_261, %dma_wait3A_262] : memref<819200x32xf32, #tpu.memory_space<hbm>> -> memref<640x32xf32, #tpu.memory_space<hbm>>
    %dma_wait3A_264 = arith.constant 0 : i32
    %dma_wait3A_265 = arith.constant 0 : i32
    %dma_wait3A_266 = tpu.memref_slice %arg4[%dma_wait3A_264, %dma_wait3A_265] : memref<819200x32xf32, #tpu.memory_space<hbm>> -> memref<640x32xf32, #tpu.memory_space<hbm>>
    tpu.wait_dma2 semaphore(%arg15 : memref<!tpu.dma_semaphore, #tpu.memory_space<semaphore_mem>>) src(%arg7 : memref<640x32xf32, #tpu.memory_space<vmem>>) dst(%dma_wait3A_266 : memref<640x32xf32, #tpu.memory_space<hbm>>)
    %dma_wait3A_267 = arith.constant 0 : i32
    %dma_wait3A_268 = arith.constant 0 : i32
    %dma_wait3A_269 = tpu.memref_slice %arg4[%dma_wait3A_267, %dma_wait3A_268] : memref<819200x32xf32, #tpu.memory_space<hbm>> -> memref<640x32xf32, #tpu.memory_space<hbm>>
    %dma_wait3A_270 = arith.constant 0 : i32
    %dma_wait3A_271 = arith.constant 0 : i32
    %dma_wait3A_272 = tpu.memref_slice %arg4[%dma_wait3A_270, %dma_wait3A_271] : memref<819200x32xf32, #tpu.memory_space<hbm>> -> memref<640x32xf32, #tpu.memory_space<hbm>>
    tpu.wait_dma2 semaphore(%arg16 : memref<!tpu.dma_semaphore, #tpu.memory_space<semaphore_mem>>) src(%arg8 : memref<640x32xf32, #tpu.memory_space<vmem>>) dst(%dma_wait3A_272 : memref<640x32xf32, #tpu.memory_space<hbm>>)
    %dma_wait3A_273 = arith.constant 0 : i32
    %dma_wait3A_274 = arith.constant 0 : i32
    %dma_wait3A_275 = tpu.memref_slice %arg4[%dma_wait3A_273, %dma_wait3A_274] : memref<819200x32xf32, #tpu.memory_space<hbm>> -> memref<640x32xf32, #tpu.memory_space<hbm>>
    %dma_wait3A_276 = arith.constant 0 : i32
    %dma_wait3A_277 = arith.constant 0 : i32
    %dma_wait3A_278 = tpu.memref_slice %arg4[%dma_wait3A_276, %dma_wait3A_277] : memref<819200x32xf32, #tpu.memory_space<hbm>> -> memref<640x32xf32, #tpu.memory_space<hbm>>
    tpu.wait_dma2 semaphore(%arg17 : memref<!tpu.dma_semaphore, #tpu.memory_space<semaphore_mem>>) src(%arg9 : memref<640x32xf32, #tpu.memory_space<vmem>>) dst(%dma_wait3A_278 : memref<640x32xf32, #tpu.memory_space<hbm>>)
    return
  }
}

</mosaic_0001>

<sc_bundles>
// kernel: kernel.3.cloned.1.call-start
scs
__scs_entry_jumppad:
0x0: {  	(pc) =	sbr.rel $0x88, $3  }
0x1: {  	(tag) =	ssettag $0x0;
	lr =	simm.s32 $0x1  }
0x2: {  	[smem:$0x3F9F] =	sst lr;
	_ =	strace $0xD0000000  }
0x3: {  	_ = 	snop  }
0x4: {  	_ = 	snop  }
0x5: {  	_ = 	snop  }
0x6: {  	_ = 	snop  }
0x7: {  	_ = 	snop  }
__scs_overlays_trampoline_lowered:
0x8: {  	[smem:$0x3FAE] =	sst s0  }
0x9: {  	[smem:$0x3FAF] =	sst s1  }
0xa: {  	[smem:$0x3FB0] =	sst s2  }
0xb: {  	[smem:$0x3FB1] =	sst s3  }
0xc: {  	[smem:$0x3FB2] =	sst s4  }
0xd: {  	[smem:$0x3FB3] =	sst s5  }
0xe: {  	[smem:$0x3FB4] =	sst s6  }
0xf: {  	[smem:$0x3FB5] =	sst s7  }
0x10: {  	[smem:$0x3FB6] =	sst s8  }
0x11: {  	[smem:$0x3FB7] =	sst s9;
	s0 =	simm.s32 @!p0 $0x0  }
0x12: {  	s1 =	sld [smem:$0x3F9D];
	s0 =	simm.s32 @p0 $0x1  }
0x13: {  	[smem:$0x3FB8] =	sst s0;
	s0 =	simm.s32 @!p1 $0x0  }
0x14: {  	s2 =	sld [smem:$0x3F9C];
	s0 =	simm.s32 @p1 $0x1  }
0x15: {  	[smem:$0x3FB9] =	sst s0;
	s0 =	simm.s32 @!p2 $0x0  }
0x16: {  	s3 =	sld [smem:$0x3FDB];
	s0 =	simm.s32 @p2 $0x1  }
0x17: {  	s4 =	simm.s32 $0x1BF5;
	[smem:$0x3FBB] =	sst s0  }
0x18: {  	s0 =	sld [smem:$0x3F9E];
	_ =	swait.ge [sflag:s4], $0x0  }
0x19: {  	s7 =	sld [smem:$0x3F9F]  }
0x1a: {  	s8 =	sadd.s32 $0xFFFFE003, lr  }
0x1b: {  	s9 =	sadd.s32 $0xFFFFFEF7, lr;
	s5 =	simm.s32 $0xFFFFFFFF;
	p2 =	slt.u32 s8, $0xFFFFF086  }
0x1c: {  	p1 =	slt.u32 s9, $0xF7A;
	s5 =	simm.s32 @!p2 $0x0  }
0x1d: {  	s5 =	simm.s32 @p1 $0x1;
	p0 =	seq.s32 s7, s2  }
0x1e: {  	s7 =	smul.u32 @!p0 $0xF7A, s2;
	p2 =	seq.s32 @!p0 s5, $0x0  }
0x1f: {  	s9 =	smul.u32 $0xF7A, s1;
	s8 =	simm.s32 @!p0 $0x1BF5;
	p2 =	por !p2, p0  }
0x20: {  	[sflag:s8] =	ssyncset.s32 @!p0 $0xFFFFF086;
	s6 =	sadd.s32 @!p0 s3, s7;
	s7 =	simm.s32 @!p0 $0x108  }
0x21: {  	s3 =	sadd.s32 s3, s9;
	s6 =	sadd.s32 @!p0 $0x88, s6;
	s7 =	simm.s32 @p2 $0x1082  }
0x22: {  	[simem:s7], [sflag:s8] =	dma.local @!p0 [hbm:s6], $0xF7A  }
0x23: {  	s9 =	sor.u32 $0xD0000000, s2;
	s6 =	simm.s32 $0x108;
	_ =	swait.ge @!p0 [sflag:s8], $0x0  }
0x24: {  	s3 =	sadd.s32 $0x88, s3;
	s6 =	simm.s32 @!p1 $0x1082;
	[sflag:s4] =	ssyncset.s32 $0xFFFFF086  }
0x25: {  	[simem:s6], [sflag:s4] =	dma.local [hbm:s3], $0xF7A  }
0x26: {  	[smem:$0x3F9F] =	sst s1;
	(tag) =	ssettag s2;
	_ =	strace s9  }
0x27: {  	s1 =	sld [smem:$0x3FAF]  }
0x28: {  	s2 =	sld [smem:$0x3FB0]  }
0x29: {  	s4 =	sld [smem:$0x3FB2]  }
0x2a: {  	p0 =	seq.s32 s5, $0x0;
	s5 =	sld [smem:$0x3FB3]  }
0x2b: {  	s6 =	sld [smem:$0x3FB4]  }
0x2c: {  	s7 =	sld [smem:$0x3FB5]  }
0x2d: {  	s3 =	simm.s32 $0x108;
	s8 =	sld [smem:$0x3FB6]  }
0x2e: {  	s3 =	simm.s32 @!p0 $0x1082;
	s9 =	sld [smem:$0x3FB7]  }
0x2f: {  	lr =	sadd.s32 s0, s3;
	s0 =	sld [smem:$0x3FAE]  }
0x30: {  	s3 =	sld [smem:$0x3FB1]  }
0x31: {  	[smem:$0x3FBA] =	sst s10  }
0x32: {  	s10 =	sld [smem:$0x3FB8];
	_ =	sdelay $0x3  }
0x33: {  	p0 =	seq.s32 s10, $0x1;
	s10 =	sld [smem:$0x3FBA];
	_ =	sdelay $0x3  }
0x34: {  	[smem:$0x3FBA] =	sst s10  }
0x35: {  	s10 =	sld [smem:$0x3FB9];
	_ =	sdelay $0x3  }
0x36: {  	p1 =	seq.s32 s10, $0x1;
	s10 =	sld [smem:$0x3FBA];
	_ =	sdelay $0x3  }
0x37: {  	[smem:$0x3FBA] =	sst s10  }
0x38: {  	s10 =	sld [smem:$0x3FBB]  }
0x39: {  	_ = 	snop;
	(pc) =	sbr.ind lr, $3  }
0x3a: {  	_ = 	snop  }
0x3b: {  	_ = 	snop  }
0x3c: {  	p2 =	seq.s32 s10, $0x1;
	s10 =	sld [smem:$0x3FBA]  }
0x3d: {  	_ =	shalt  }
0x3e: {  	_ =	shalt  }
0x3f: {  	_ =	shalt  }
0x40: {  	_ =	shalt  }
0x41: {  	_ =	shalt  }
0x42: {  	_ =	shalt  }
0x43: {  	_ =	shalt  }
0x44: {  	_ =	shalt  }
0x45: {  	_ =	shalt  }
0x46: {  	_ =	shalt  }
0x47: {  	_ =	shalt  }
0x48: {  	_ =	shalt  }
0x49: {  	_ =	shalt  }
0x4a: {  	_ =	shalt  }
0x4b: {  	_ =	shalt  }
0x4c: {  	_ =	shalt  }
0x4d: {  	_ =	shalt  }
0x4e: {  	_ =	shalt  }
0x4f: {  	_ =	shalt  }
0x50: {  	_ =	shalt  }
0x51: {  	_ =	shalt  }
0x52: {  	_ =	shalt  }
0x53: {  	_ =	shalt  }
0x54: {  	_ =	shalt  }
0x55: {  	_ =	shalt  }
0x56: {  	_ =	shalt  }
0x57: {  	_ =	shalt  }
0x58: {  	_ =	shalt  }
0x59: {  	_ =	shalt  }
0x5a: {  	_ =	shalt  }
0x5b: {  	_ =	shalt  }
0x5c: {  	_ =	shalt  }
0x5d: {  	_ =	shalt  }
0x5e: {  	_ =	shalt  }
0x5f: {  	_ =	shalt  }
0x60: {  	_ =	shalt  }
0x61: {  	_ =	shalt  }
0x62: {  	_ =	shalt  }
0x63: {  	_ =	shalt  }
0x64: {  	_ =	shalt  }
0x65: {  	_ =	shalt  }
0x66: {  	_ =	shalt  }
0x67: {  	_ =	shalt  }
0x68: {  	_ =	shalt  }
0x69: {  	_ =	shalt  }
0x6a: {  	_ =	shalt  }
0x6b: {  	_ =	shalt  }
0x6c: {  	_ =	shalt  }
0x6d: {  	_ =	shalt  }
0x6e: {  	_ =	shalt  }
0x6f: {  	_ =	shalt  }
0x70: {  	_ =	shalt  }
0x71: {  	_ =	shalt  }
0x72: {  	_ =	shalt  }
0x73: {  	_ =	shalt  }
0x74: {  	_ =	shalt  }
0x75: {  	_ =	shalt  }
0x76: {  	_ =	shalt  }
0x77: {  	_ =	shalt  }
0x78: {  	_ =	shalt  }
0x79: {  	_ =	shalt  }
0x7a: {  	_ =	shalt  }
0x7b: {  	_ =	shalt  }
0x7c: {  	_ =	shalt  }
0x7d: {  	_ =	shalt  }
0x7e: {  	_ =	shalt  }
0x7f: {  	_ =	shalt  }
0x80: {  	_ =	shalt  }
0x81: {  	_ =	shalt  }
0x82: {  	_ =	shalt  }
0x83: {  	_ =	shalt  }
0x84: {  	_ =	shalt  }
0x85: {  	_ =	shalt  }
0x86: {  	_ =	shalt  }
0x87: {  	_ =	shalt  }
.Lfunc_end0:
.L_simem_size_0:
called_computation.1_lowered:
.L_overlay_start_0:
0x88: {  	s2 =	sld [smem:$0x3FD9]  }
0x89: {  	s3 =	sld [smem:$0x3FFE];
	_ =	sdelay $0x1  }
0x8a: {  	s1 =	srdreg.scid  }
0x8b: {  	s0 =	sand.u32 $0x1, s1  }
0x8c: {  	s17 =	sshll.u32 s0, $0xA;
	s2 =	sadd.s32 s3, s2  }
0x8d: {  	s2 =	sadd.s32 s2, s17  }
0x8e: {  	[smem:$0x3FC6] =	sst s2  }
0x8f: {  	_ = 	snop  }
0x90: {  	s2 =	sld [smem:$0x3FD0];
	(tm) =	ssettm $0x1  }
0x91: {  	s18 =	sld [smem:$0x3FFB];
	_ =	sdelay $0x3  }
0x92: {  	_ =	strace s18  }
0x93: {  	s3 =	sld [smem:$0x3FFC];
	_ =	sdelay $0x3  }
0x94: {  	_ =	strace s3  }
0x95: {  	s3 =	sld [smem:$0x3FFD];
	_ =	sdelay $0x3  }
0x96: {  	_ =	strace s3  }
0x97: {  	_ =	strace $0x8FFFFFFF  }
0x98: {  	s19 =	sld [smem:$0x3FDB];
	_ =	sdelay $0x1  }
0x99: {  	s4 =	simm.s32 $_scs_section_size  }
0x9a: {  	s5 =	simm.s32 $_size__tile_overlayer_lowered;
	s6 =	simm.s32 $_tile_overlayer_lowered  }
0x9b: {  	s22 =	simm.s32 $0x1BFF;
	s21 =	sshll.u32 s6, $0x1;
	s3 =	sadd.s32 s4, s19  }
0x9c: {  	s7 =	simm.s32 $0x0;
	s20 =	sshll.u32 s5, $0x1;
	s5 =	sadd.s32 s21, s3  }
0x9d: {  	[timem:s7], [sflag:s22] =	dma.local [hbm:s5], s20  }
0x9e: {  	_ =	swait.ge [sflag:s22], s20  }
0x9f: {  	s4 =	ssub.s32 $0x0, s20;
	[sflag:s22] =	ssyncset.done $0x0  }
0xa0: {  	[sflag:s22] =	ssyncadd.s32 s4;
	_ =	sdelay $0x1  }
0xa1: {  	s23 =	simm.s32 $0x1B8B  }
0xa2: {  	_ =	swait.ge [sflag:s23], $0x1  }
0xa3: {  	[sflag:s23] =	ssyncset.done $0x0  }
0xa4: {  	s25 =	simm.s32 $0x1B8E;
	s24 =	sld [smem:$0x3FFE];
	[sflag:s23] =	ssyncadd.s32 $0xFFFFFFFF  }
0xa5: {  	s26 =	simm.s32 $execute0_lowered;
	[smem:$0x3FD2] =	sst s25  }
0xa6: {  	s5 =	sshll.u32 s26, $0x1;
	_ =	strace $0x80000046;
	[dreg:$0x1] =	wrdreg $0xFFFFFFFF  }
0xa7: {  	s28 =	simm.s32 $_size_execute0_lowered;
	s3 =	sadd.s32 s3, s5;
	[dreg:$0x0] =	wrdreg $0x0  }
0xa8: {  	s5 =	sshll.u32 s28, $0x1;
	[dreg:$0x2] =	wrdreg s3  }
0xa9: {  	[dreg:$0x3] =	wrdreg s5  }
0xaa: {  	[dreg:$0x4] =	wrdreg $0xC0  }
0xab: {  	_ =	task [dreg:s7], $0x5FFFF  }
0xac: {  	[dreg:$0x1] =	wrdreg $0xFFFFFFFF  }
0xad: {  	[dreg:$0x0] =	wrdreg $0x60  }
0xae: {  	[dreg:$0x2] =	wrdreg s24  }
0xaf: {  	[dreg:$0x3] =	wrdreg s2  }
0xb0: {  	[dreg:$0x4] =	wrdreg $0x9  }
0xb1: {  	_ =	task.clear_ibuf [dreg:s7], $0x5FFFF;
	_ =	strace $0x90000046  }
0xb2: {  	s29 =	simm.s32 $0x9;
	_ =	strace $0x80000048  }
0xb3: {  	_ =	swait.ge [sflag:s29], $0x1  }
0xb4: {  	[sflag:s29] =	ssyncadd.s32 $0xFFFFFFFF  }
0xb5: {  	_ =	strace $0x90000048  }
0xb6: {  	_ =	sfence  }
0xb7: {  	s30 =	sld [smem:$0x0];
	_ =	sdelay $0x2  }
0xb8: {  	s31 =	sshll.u32 s1, $0xD;
	s1 =	sshrl.u32 s1, $0x2  }
0xb9: {  	s3 =	sand.u32 $0x4000, s31;
	s1 =	sadd.s32 s1, s30  }
0xba: {  	s0 =	sor.u32 s3, s0;
	s1 =	sshll.u32 s1, $0x11  }
0xbb: {  	s0 =	sor.u32 s1, s0  }
0xbc: {  	s0 =	sadd.s32 $0x8F2B, s0  }
0xbd: {  	[sflag:s0] =	ssyncadd.remote.s32 $0x1  }
0xbe: {  	_ =	sfence.sel $0xFFFF  }
0xbf: {  	[dreg:$0x0] =	wrdreg $0xFFFFFFFF;
	(pc) =	sbr.abs _section_cstart, $3  }
0xc0: {  	[dreg:$0x1] =	wrdreg $0xFFFFFFFF  }
0xc1: {  	_ =	task.clear_ibuf [dreg:s7], $0x2FFFF;
	_ =	strace $0x9FFFFFFF  }
0xc2: {  	(tm) =	ssettm $0x7FFFFFFF  }
0xc3: {  	_ =	shalt  }
tec
execute0_lowered:
.L_overlay_start_1:
0x0: {  	(tag) =	ssettag $0x1  }
0x1: {  	s0 =	rddreg [dreg:$0x0]  }
0x2: {  	s1 =	rddreg [dreg:$0x1]  }
0x3: {  	s2 =	simm.s32 $0x0;
	s3 =	srdreg.scid;
	s5 =	stileid.u32  }
0x4: {  	s11 =	simm.s32 $0x80;
	s30 =	simm.s32 $0x6400;
	s15 =	simm.s32 $0x7400  }
0x5: {  	s17 =	simm.s32 $0x8400;
	s16 =	simm.s32 $0xC400;
	s31 =	simm.s32 $0x1  }
0x6: {  	s14 =	simm.s32 $0x13400;
	s28 =	simm.s32 $0x16400;
	s29 =	simm.s32 $0x17400  }
0x7: {  	s12 =	simm.s32 $0x18400;
	s13 =	simm.s32 $0x0;
	[smem:$0x7FF] =	sst s2  }
0x8: {  	s4 =	sand.u32 $0x1, s3;
	s18 =	sshll.u32 s5, $0x1;
	s5 =	smul.u32 $0xC800, s5  }
0x9: {  	s3 =	sadd.s32 $0xF42E00, s0;
	s6 =	sor.u32 s4, s18;
	s7 =	smul.u32 $0x6400, s4  }
0xa: {  	_ =	strace $0x80000047;
	s4 =	ssub.s32 $0x2, s4;
	s8 =	smul.u32 $0xC80, s6  }
0xb: {  	s18 =	simm.s32 $0x15400;
	[dreg:$0xd] =	wrdreg s13;
	s10 =	smul.u32 $0x19000, s6  }
0xc: {  	s9 =	sshrl.u32 s4, $0x1;
	s6 =	smul.u32 $0xC8000, s6;
	s5 =	sadd.s32 s7, s5  }
0xd: {  	s4 =	ssub.s32 s4, s9;
	s7 =	simm.s32 $0x4;
	s9 =	simm.s32 $0x7  }
0xe: {  	s0 =	sadd.s32 s8, s0;
	s5 =	sshll.u32 s5, $0x2;
	s19 =	sadd.s32 s1, s10  }
0xf: {  	s6 =	sshrl.u32 s6, $0x3;
	s26 =	smax.u32 s4, $0x1;
	s4 =	simm.s32 $0x5  }
0x10: {  	s8 =	simm.s32 $0x6;
	s10 =	simm.s32 $0x8;
	[dreg:$0x7] =	wrdreg s19  }
0x11: {  	s20 =	sadd.s32 $0x20001E00, s5;
	s0 =	sadd.s32 $0xA00, s0;
	[dreg:$0xc] =	wrdreg s26  }
0x12: {  	s21 =	sadd.s32 $0xA00, s19;
	s5 =	sadd.s32 s1, s5;
	[dreg:$0x8] =	wrdreg s0  }
0x13: {  	s19 =	simm.s32 $0x9400;
	s26 =	simm.s32 $0x11400;
	[dreg:$0x9] =	wrdreg s21  }
0x14: {  	s22 =	sand.u32 $0xFFFE00, s20;
	s23 =	sadd.s32 $0x2800, s5;
	s24 =	sadd.s32 $0x3C00, s5  }
0x15: {  	s25 =	sadd.s32 $0x3200, s5;
	s21 =	simm.s32 $0xB400;
	[dreg:$0x4] =	wrdreg s23  }
0x16: {  	s20 =	simm.s32 $0xD400;
	s5 =	simm.s32 $0x14400;
	[dreg:$0x5] =	wrdreg s24  }
0x17: {  	s0 =	sadd.s32 s22, s1;
	s1 =	sadd.s32 s1, s6;
	[dreg:$0x6] =	wrdreg s25  }
0x18: {  	s23 =	simm.s32 $0xA400;
	s24 =	simm.s32 $0xE400;
	s25 =	simm.s32 $0xF400  }
0x19: {  	s22 =	simm.s32 $0x12400;
	[dreg:$0x3] =	wrdreg s0;
	s6 =	sadd.s32 $0x1400, s1  }
0x1a: {  	s1 =	sadd.s32 $0x18600, s1;
	s0 =	simm.s32 $0x2;
	[dreg:$0xa] =	wrdreg s6  }
0x1b: {  	[dreg:$0xb] =	wrdreg s1;
	s1 =	simm.s32 $0x10400;
	s6 =	simm.s32 $0x3  }
.LBB2_1:
0x1c: {  	s13 =	rddreg [dreg:$0x8]  }
0x1d: {  	[tilespmem:s2], [sflag:$0x9] =	stream.linear.gather [hbm4b:s13+s2], $0x6400, $0x38;
	[tilespmem:$0x1A400] =	vst v63  }
0x1e: {  	s13 =	simm.s32 $0x9  }
0x1f: {  	_ =	swait.ge [sflag:s13], $0x6400  }
0x20: {  	[sflag:s13] =	ssyncset.done $0x0  }
0x21: {  	[sflag:s13] =	ssyncadd.s32 $0xFFFF9C00  }
0x22: {  	[tilespmem:s30], [sflag:$0x1] =	stream.indirect.gather [hbm4b:s3+s11], $0x20, s2, s11, $0xb8;
	[tilespmem:$0x1A400] =	vst v63  }
0x23: {  	_ = 	snop  }
0x24: {  	[tilespmem:s15], [sflag:$0x1] =	stream.indirect.gather [hbm4b:s3+s11], $0x20, s11, s11, $0xb8;
	[tilespmem:$0x1A400] =	vst v63  }
0x25: {  	s13 =	simm.s32 $0x100  }
0x26: {  	[tilespmem:s17], [sflag:$0x1] =	stream.indirect.gather [hbm4b:s3+s11], $0x20, s13, s11, $0xb8;
	[tilespmem:$0x1A400] =	vst v63  }
0x27: {  	s13 =	simm.s32 $0x180  }
0x28: {  	[tilespmem:s19], [sflag:$0x1] =	stream.indirect.gather [hbm4b:s3+s11], $0x20, s13, s11, $0xb8;
	[tilespmem:$0x1A400] =	vst v63  }
0x29: {  	s13 =	simm.s32 $0x200  }
0x2a: {  	[tilespmem:s23], [sflag:$0x1] =	stream.indirect.gather [hbm4b:s3+s11], $0x20, s13, s11, $0xb8;
	[tilespmem:$0x1A400] =	vst v63  }
0x2b: {  	s13 =	simm.s32 $0x280  }
0x2c: {  	[tilespmem:s21], [sflag:$0x2] =	stream.indirect.gather [hbm4b:s3+s11], $0x20, s13, s11, $0xb8;
	[tilespmem:$0x1A400] =	vst v63  }
0x2d: {  	s13 =	simm.s32 $0x300  }
0x2e: {  	[tilespmem:s16], [sflag:$0x2] =	stream.indirect.gather [hbm4b:s3+s11], $0x20, s13, s11, $0xb8;
	[tilespmem:$0x1A400] =	vst v63  }
0x2f: {  	s13 =	simm.s32 $0x380  }
0x30: {  	[tilespmem:s20], [sflag:$0x2] =	stream.indirect.gather [hbm4b:s3+s11], $0x20, s13, s11, $0xb8;
	[tilespmem:$0x1A400] =	vst v63  }
0x31: {  	s13 =	simm.s32 $0x400  }
0x32: {  	[tilespmem:s24], [sflag:$0x2] =	stream.indirect.gather [hbm4b:s3+s11], $0x20, s13, s11, $0xb8;
	[tilespmem:$0x1A400] =	vst v63  }
0x33: {  	s13 =	simm.s32 $0x480  }
0x34: {  	[tilespmem:s25], [sflag:$0x2] =	stream.indirect.gather [hbm4b:s3+s11], $0x20, s13, s11, $0xb8;
	[tilespmem:$0x1A400] =	vst v63  }
0x35: {  	_ =	swait.ge [sflag:s31], $0x5000  }
0x36: {  	[sflag:s31] =	ssyncset.done $0x0  }
0x37: {  	s13 =	rddreg [dreg:$0x7];
	[sflag:s31] =	ssyncadd.s32 $0xFFFFB000  }
0x38: {  	[hbm4b:s13+s2] =	stream.linear.scatter [tilespmem:s30], [sflag:$0x5], $0x5000, $0x38;
	[tilespmem:$0x1A400] =	vst v63  }
0x39: {  	s13 =	simm.s32 $0x500  }
0x3a: {  	[tilespmem:s1], [sflag:$0x3] =	stream.indirect.gather [hbm4b:s3+s11], $0x20, s13, s11, $0xb8;
	[tilespmem:$0x1A400] =	vst v63  }
0x3b: {  	s13 =	simm.s32 $0x580  }
0x3c: {  	[tilespmem:s26], [sflag:$0x3] =	stream.indirect.gather [hbm4b:s3+s11], $0x20, s13, s11, $0xb8;
	[tilespmem:$0x1A400] =	vst v63  }
0x3d: {  	s13 =	simm.s32 $0x600  }
0x3e: {  	[tilespmem:s22], [sflag:$0x3] =	stream.indirect.gather [hbm4b:s3+s11], $0x20, s13, s11, $0xb8;
	[tilespmem:$0x1A400] =	vst v63  }
0x3f: {  	s13 =	simm.s32 $0x680  }
0x40: {  	[tilespmem:s14], [sflag:$0x3] =	stream.indirect.gather [hbm4b:s3+s11], $0x20, s13, s11, $0xb8;
	[tilespmem:$0x1A400] =	vst v63  }
0x41: {  	s13 =	simm.s32 $0x700  }
0x42: {  	[tilespmem:s5], [sflag:$0x3] =	stream.indirect.gather [hbm4b:s3+s11], $0x20, s13, s11, $0xb8;
	[tilespmem:$0x1A400] =	vst v63  }
0x43: {  	_ =	swait.ge [sflag:s0], $0x5000  }
0x44: {  	[sflag:s0] =	ssyncset.done $0x0  }
0x45: {  	s13 =	rddreg [dreg:$0x9];
	[sflag:s0] =	ssyncadd.s32 $0xFFFFB000  }
0x46: {  	[hbm4b:s13+s2] =	stream.linear.scatter [tilespmem:s21], [sflag:$0x6], $0x5000, $0x38;
	[tilespmem:$0x1A400] =	vst v63  }
0x47: {  	s13 =	simm.s32 $0x780  }
0x48: {  	[tilespmem:s18], [sflag:$0x4] =	stream.indirect.gather [hbm4b:s3+s11], $0x20, s13, s11, $0xb8;
	[tilespmem:$0x1A400] =	vst v63  }
0x49: {  	s13 =	simm.s32 $0x800  }
0x4a: {  	[tilespmem:s28], [sflag:$0x4] =	stream.indirect.gather [hbm4b:s3+s11], $0x20, s13, s11, $0xb8;
	[tilespmem:$0x1A400] =	vst v63  }
0x4b: {  	s13 =	simm.s32 $0x880  }
0x4c: {  	[tilespmem:s29], [sflag:$0x4] =	stream.indirect.gather [hbm4b:s3+s11], $0x20, s13, s11, $0xb8;
	[tilespmem:$0x1A400] =	vst v63  }
0x4d: {  	s13 =	simm.s32 $0x900  }
0x4e: {  	[tilespmem:s12], [sflag:$0x4] =	stream.indirect.gather [hbm4b:s3+s11], $0x20, s13, s11, $0xb8;
	[tilespmem:$0x1A400] =	vst v63  }
0x4f: {  	s12 =	simm.s32 $0x19400;
	s13 =	simm.s32 $0x980  }
0x50: {  	[tilespmem:s12], [sflag:$0x4] =	stream.indirect.gather [hbm4b:s3+s11], $0x20, s13, s11, $0xb8;
	[tilespmem:$0x1A400] =	vst v63  }
0x51: {  	_ =	swait.ge [sflag:s6], $0x5000  }
0x52: {  	[sflag:s6] =	ssyncset.done $0x0  }
0x53: {  	s13 =	rddreg [dreg:$0xa];
	[sflag:s6] =	ssyncadd.s32 $0xFFFFB000  }
0x54: {  	[hbm4b:s13+s2] =	stream.linear.scatter [tilespmem:s1], [sflag:$0x7], $0x5000, $0x38;
	[tilespmem:$0x1A400] =	vst v63  }
0x55: {  	_ =	swait.ge [sflag:s4], $0x5000  }
0x56: {  	[sflag:s4] =	ssyncset.done $0x0  }
0x57: {  	s13 =	simm.s32 $0xA00;
	[sflag:s4] =	ssyncadd.s32 $0xFFFFB000  }
0x58: {  	[tilespmem:s30], [sflag:$0x1] =	stream.indirect.gather [hbm4b:s3+s11], $0x20, s13, s11, $0xb8;
	[tilespmem:$0x1A400] =	vst v63  }
0x59: {  	s13 =	simm.s32 $0xA80  }
0x5a: {  	[tilespmem:s15], [sflag:$0x1] =	stream.indirect.gather [hbm4b:s3+s11], $0x20, s13, s11, $0xb8;
	[tilespmem:$0x1A400] =	vst v63  }
0x5b: {  	s15 =	simm.s32 $0xB00  }
0x5c: {  	[tilespmem:s17], [sflag:$0x1] =	stream.indirect.gather [hbm4b:s3+s11], $0x20, s15, s11, $0xb8;
	[tilespmem:$0x1A400] =	vst v63  }
0x5d: {  	s15 =	simm.s32 $0xB80  }
0x5e: {  	[tilespmem:s19], [sflag:$0x1] =	stream.indirect.gather [hbm4b:s3+s11], $0x20, s15, s11, $0xb8;
	[tilespmem:$0x1A400] =	vst v63  }
0x5f: {  	s17 =	simm.s32 $0xC00  }
0x60: {  	[tilespmem:s23], [sflag:$0x1] =	stream.indirect.gather [hbm4b:s3+s11], $0x20, s17, s11, $0xb8;
	[tilespmem:$0x1A400] =	vst v63  }
0x61: {  	_ =	swait.ge [sflag:s7], $0x5000  }
0x62: {  	s19 =	rddreg [dreg:$0x3];
	[sflag:s7] =	ssyncset.done $0x0  }
0x63: {  	[sflag:s7] =	ssyncadd.s32 $0xFFFFB000;
	s13 =	sadd.s32 $0x0, s19  }
0x64: {  	[hbm4b:s13+s2] =	stream.linear.scatter [tilespmem:s18], [sflag:$0x8], $0x5000, $0x38;
	[tilespmem:$0x1A400] =	vst v63  }
0x65: {  	_ =	swait.ge [sflag:s8], $0x5000  }
0x66: {  	[sflag:s8] =	ssyncset.done $0x0  }
0x67: {  	s23 =	simm.s32 $0xC80;
	[sflag:s8] =	ssyncadd.s32 $0xFFFFB000  }
0x68: {  	[tilespmem:s21], [sflag:$0x2] =	stream.indirect.gather [hbm4b:s3+s11], $0x20, s23, s11, $0xb8;
	[tilespmem:$0x1A400] =	vst v63  }
0x69: {  	s15 =	simm.s32 $0xD00  }
0x6a: {  	[tilespmem:s16], [sflag:$0x2] =	stream.indirect.gather [hbm4b:s3+s11], $0x20, s15, s11, $0xb8;
	[tilespmem:$0x1A400] =	vst v63  }
0x6b: {  	s17 =	simm.s32 $0xD80  }
0x6c: {  	[tilespmem:s20], [sflag:$0x2] =	stream.indirect.gather [hbm4b:s3+s11], $0x20, s17, s11, $0xb8;
	[tilespmem:$0x1A400] =	vst v63  }
0x6d: {  	s19 =	simm.s32 $0xE00  }
0x6e: {  	[tilespmem:s24], [sflag:$0x2] =	stream.indirect.gather [hbm4b:s3+s11], $0x20, s19, s11, $0xb8;
	[tilespmem:$0x1A400] =	vst v63  }
0x6f: {  	s20 =	simm.s32 $0xE80  }
0x70: {  	[tilespmem:s25], [sflag:$0x2] =	stream.indirect.gather [hbm4b:s3+s11], $0x20, s20, s11, $0xb8;
	[tilespmem:$0x1A400] =	vst v63  }
0x71: {  	_ =	swait.ge [sflag:s31], $0x5000  }
0x72: {  	s23 =	rddreg [dreg:$0x4];
	[sflag:s31] =	ssyncset.done $0x0  }
0x73: {  	[sflag:s31] =	ssyncadd.s32 $0xFFFFB000;
	s13 =	sadd.s32 $0x0, s23  }
0x74: {  	[hbm4b:s13+s2] =	stream.linear.scatter [tilespmem:s30], [sflag:$0x5], $0x5000, $0x38;
	[tilespmem:$0x1A400] =	vst v63  }
0x75: {  	_ =	swait.ge [sflag:s9], $0x5000  }
0x76: {  	[sflag:s9] =	ssyncset.done $0x0  }
0x77: {  	s24 =	simm.s32 $0xF00;
	[sflag:s9] =	ssyncadd.s32 $0xFFFFB000  }
0x78: {  	[tilespmem:s1], [sflag:$0x3] =	stream.indirect.gather [hbm4b:s3+s11], $0x20, s24, s11, $0xb8;
	[tilespmem:$0x1A400] =	vst v63  }
0x79: {  	s25 =	simm.s32 $0xF80  }
0x7a: {  	[tilespmem:s26], [sflag:$0x3] =	stream.indirect.gather [hbm4b:s3+s11], $0x20, s25, s11, $0xb8;
	[tilespmem:$0x1A400] =	vst v63  }
0x7b: {  	s26 =	simm.s32 $0x1000  }
0x7c: {  	[tilespmem:s22], [sflag:$0x3] =	stream.indirect.gather [hbm4b:s3+s11], $0x20, s26, s11, $0xb8;
	[tilespmem:$0x1A400] =	vst v63  }
0x7d: {  	s15 =	simm.s32 $0x1080  }
0x7e: {  	[tilespmem:s14], [sflag:$0x3] =	stream.indirect.gather [hbm4b:s3+s11], $0x20, s15, s11, $0xb8;
	[tilespmem:$0x1A400] =	vst v63  }
0x7f: {  	s16 =	simm.s32 $0x1100  }
0x80: {  	[tilespmem:s5], [sflag:$0x3] =	stream.indirect.gather [hbm4b:s3+s11], $0x20, s16, s11, $0xb8;
	[tilespmem:$0x1A400] =	vst v63  }
0x81: {  	_ =	swait.ge [sflag:s0], $0x5000  }
0x82: {  	s17 =	rddreg [dreg:$0x6];
	[sflag:s0] =	ssyncset.done $0x0  }
0x83: {  	[sflag:s0] =	ssyncadd.s32 $0xFFFFB000;
	s13 =	sadd.s32 $0x0, s17  }
0x84: {  	[hbm4b:s13+s2] =	stream.linear.scatter [tilespmem:s21], [sflag:$0x6], $0x5000, $0x38;
	[tilespmem:$0x1A400] =	vst v63  }
0x85: {  	_ =	swait.ge [sflag:s10], $0x5000  }
0x86: {  	s12 =	simm.s32 $0x19400;
	s19 =	simm.s32 $0x1180;
	[sflag:s10] =	ssyncset.done $0x0  }
0x87: {  	s20 =	simm.s32 $0x1200;
	s23 =	simm.s32 $0x1300;
	[sflag:s10] =	ssyncadd.s32 $0xFFFFB000  }
0x88: {  	[tilespmem:s18], [sflag:$0x4] =	stream.indirect.gather [hbm4b:s3+s11], $0x20, s19, s11, $0xb8;
	[tilespmem:$0x1A400] =	vst v63  }
0x89: {  	s30 =	simm.s32 $0x16400;
	s24 =	simm.s32 $0x18400;
	s25 =	simm.s32 $0x1380  }
0x8a: {  	[tilespmem:s28], [sflag:$0x4] =	stream.indirect.gather [hbm4b:s3+s11], $0x20, s20, s11, $0xb8;
	[tilespmem:$0x1A400] =	vst v63  }
0x8b: {  	s22 =	simm.s32 $0x1280;
	s14 =	simm.s32 $0x13400;
	s5 =	simm.s32 $0x14400  }
0x8c: {  	[tilespmem:s29], [sflag:$0x4] =	stream.indirect.gather [hbm4b:s3+s11], $0x20, s22, s11, $0xb8;
	[tilespmem:$0x1A400] =	vst v63  }
0x8d: {  	s16 =	simm.s32 $0x6400;
	s13 =	simm.s32 $0x2800;
	s20 =	simm.s32 $0xD400  }
0x8e: {  	[tilespmem:s24], [sflag:$0x4] =	stream.indirect.gather [hbm4b:s3+s11], $0x20, s23, s11, $0xb8;
	[tilespmem:$0x1A400] =	vst v63  }
0x8f: {  	s28 =	simm.s32 $0x9400;
	s29 =	simm.s32 $0xF400;
	s22 =	simm.s32 $0x12400  }
0x90: {  	[tilespmem:s12], [sflag:$0x4] =	stream.indirect.gather [hbm4b:s3+s11], $0x20, s25, s11, $0xb8;
	[tilespmem:$0x1A400] =	vst v63  }
0x91: {  	s24 =	simm.s32 $0xE400;
	s23 =	simm.s32 $0x17400;
	_ =	swait.ge [sflag:s6], $0x5000  }
0x92: {  	s12 =	simm.s32 $0x18400;
	s26 =	rddreg [dreg:$0x5];
	[sflag:s6] =	ssyncset.done $0x0  }
0x93: {  	[sflag:s6] =	ssyncadd.s32 $0xFFFFB000;
	s15 =	sadd.s32 $0x0, s26;
	s26 =	simm.s32 $0x11400  }
.LBB2_2:
0x94: {  	[hbm4b:s15+s2] =	stream.linear.scatter [tilespmem:s1], [sflag:$0x7], $0x5000, $0x38;
	[tilespmem:$0x1A400] =	vst v63  }
0x95: {  	s15 =	smov.u32 s13;
	_ =	swait.ge [sflag:s4], $0x5000  }
0x96: {  	s17 =	sshra.s32 s15, $0x2;
	[sflag:s4] =	ssyncset.done $0x0  }
0x97: {  	s19 =	sadd.s32 $0xA00, s17;
	[sflag:s4] =	ssyncadd.s32 $0xFFFFB000  }
0x98: {  	[tilespmem:s16], [sflag:$0x1] =	stream.indirect.gather [hbm4b:s3+s11], $0x20, s19, s11, $0xb8;
	[tilespmem:$0x1A400] =	vst v63  }
0x99: {  	s25 =	simm.s32 $0x7400;
	s19 =	sadd.s32 $0xA80, s17  }
0x9a: {  	[tilespmem:s25], [sflag:$0x1] =	stream.indirect.gather [hbm4b:s3+s11], $0x20, s19, s11, $0xb8;
	[tilespmem:$0x1A400] =	vst v63  }
0x9b: {  	s19 =	sadd.s32 $0xB00, s17;
	s25 =	simm.s32 $0x8400  }
0x9c: {  	[tilespmem:s25], [sflag:$0x1] =	stream.indirect.gather [hbm4b:s3+s11], $0x20, s19, s11, $0xb8;
	[tilespmem:$0x1A400] =	vst v63  }
0x9d: {  	s25 =	sadd.s32 $0xB80, s17  }
0x9e: {  	[tilespmem:s28], [sflag:$0x1] =	stream.indirect.gather [hbm4b:s3+s11], $0x20, s25, s11, $0xb8;
	[tilespmem:$0x1A400] =	vst v63  }
0x9f: {  	s19 =	sadd.s32 $0xC00, s17;
	s25 =	simm.s32 $0xA400  }
0xa0: {  	[tilespmem:s25], [sflag:$0x1] =	stream.indirect.gather [hbm4b:s3+s11], $0x20, s19, s11, $0xb8;
	[tilespmem:$0x1A400] =	vst v63  }
0xa1: {  	_ =	swait.ge [sflag:s7], $0x5000  }
0xa2: {  	s25 =	rddreg [dreg:$0x3];
	[sflag:s7] =	ssyncset.done $0x0  }
0xa3: {  	[sflag:s7] =	ssyncadd.s32 $0xFFFFB000;
	s19 =	sadd.s32 s15, s25  }
0xa4: {  	[hbm4b:s19+s2] =	stream.linear.scatter [tilespmem:s18], [sflag:$0x8], $0x5000, $0x38;
	[tilespmem:$0x1A400] =	vst v63  }
0xa5: {  	_ =	swait.ge [sflag:s8], $0x5000  }
0xa6: {  	[sflag:s8] =	ssyncset.done $0x0  }
0xa7: {  	s25 =	sadd.s32 $0xC80, s17;
	[sflag:s8] =	ssyncadd.s32 $0xFFFFB000  }
0xa8: {  	[tilespmem:s21], [sflag:$0x2] =	stream.indirect.gather [hbm4b:s3+s11], $0x20, s25, s11, $0xb8;
	[tilespmem:$0x1A400] =	vst v63  }
0xa9: {  	s19 =	sadd.s32 $0xD00, s17;
	s25 =	simm.s32 $0xC400  }
0xaa: {  	[tilespmem:s25], [sflag:$0x2] =	stream.indirect.gather [hbm4b:s3+s11], $0x20, s19, s11, $0xb8;
	[tilespmem:$0x1A400] =	vst v63  }
0xab: {  	s25 =	sadd.s32 $0xD80, s17  }
0xac: {  	[tilespmem:s20], [sflag:$0x2] =	stream.indirect.gather [hbm4b:s3+s11], $0x20, s25, s11, $0xb8;
	[tilespmem:$0x1A400] =	vst v63  }
0xad: {  	s25 =	sadd.s32 $0xE00, s17  }
0xae: {  	[tilespmem:s24], [sflag:$0x2] =	stream.indirect.gather [hbm4b:s3+s11], $0x20, s25, s11, $0xb8;
	[tilespmem:$0x1A400] =	vst v63  }
0xaf: {  	s25 =	sadd.s32 $0xE80, s17  }
0xb0: {  	[tilespmem:s29], [sflag:$0x2] =	stream.indirect.gather [hbm4b:s3+s11], $0x20, s25, s11, $0xb8;
	[tilespmem:$0x1A400] =	vst v63  }
0xb1: {  	_ =	swait.ge [sflag:s31], $0x5000  }
0xb2: {  	s25 =	rddreg [dreg:$0x4];
	[sflag:s31] =	ssyncset.done $0x0  }
0xb3: {  	[sflag:s31] =	ssyncadd.s32 $0xFFFFB000;
	s19 =	sadd.s32 s15, s25  }
0xb4: {  	[hbm4b:s19+s2] =	stream.linear.scatter [tilespmem:s16], [sflag:$0x5], $0x5000, $0x38;
	[tilespmem:$0x1A400] =	vst v63  }
0xb5: {  	_ =	swait.ge [sflag:s9], $0x5000  }
0xb6: {  	[sflag:s9] =	ssyncset.done $0x0  }
0xb7: {  	s25 =	sadd.s32 $0xF00, s17;
	[sflag:s9] =	ssyncadd.s32 $0xFFFFB000  }
0xb8: {  	[tilespmem:s1], [sflag:$0x3] =	stream.indirect.gather [hbm4b:s3+s11], $0x20, s25, s11, $0xb8;
	[tilespmem:$0x1A400] =	vst v63  }
0xb9: {  	s25 =	sadd.s32 $0xF80, s17  }
0xba: {  	[tilespmem:s26], [sflag:$0x3] =	stream.indirect.gather [hbm4b:s3+s11], $0x20, s25, s11, $0xb8;
	[tilespmem:$0x1A400] =	vst v63  }
0xbb: {  	s25 =	sadd.s32 $0x1000, s17  }
0xbc: {  	[tilespmem:s22], [sflag:$0x3] =	stream.indirect.gather [hbm4b:s3+s11], $0x20, s25, s11, $0xb8;
	[tilespmem:$0x1A400] =	vst v63  }
0xbd: {  	s25 =	sadd.s32 $0x1080, s17  }
0xbe: {  	[tilespmem:s14], [sflag:$0x3] =	stream.indirect.gather [hbm4b:s3+s11], $0x20, s25, s11, $0xb8;
	[tilespmem:$0x1A400] =	vst v63  }
0xbf: {  	s25 =	sadd.s32 $0x1100, s17  }
0xc0: {  	[tilespmem:s5], [sflag:$0x3] =	stream.indirect.gather [hbm4b:s3+s11], $0x20, s25, s11, $0xb8;
	[tilespmem:$0x1A400] =	vst v63  }
0xc1: {  	_ =	swait.ge [sflag:s0], $0x5000  }
0xc2: {  	s25 =	rddreg [dreg:$0x6];
	[sflag:s0] =	ssyncset.done $0x0  }
0xc3: {  	[sflag:s0] =	ssyncadd.s32 $0xFFFFB000;
	s19 =	sadd.s32 s15, s25  }
0xc4: {  	[hbm4b:s19+s2] =	stream.linear.scatter [tilespmem:s21], [sflag:$0x6], $0x5000, $0x38;
	[tilespmem:$0x1A400] =	vst v63  }
0xc5: {  	_ =	swait.ge [sflag:s10], $0x5000  }
0xc6: {  	[sflag:s10] =	ssyncset.done $0x0  }
0xc7: {  	s25 =	sadd.s32 $0x1180, s17;
	[sflag:s10] =	ssyncadd.s32 $0xFFFFB000  }
0xc8: {  	[tilespmem:s18], [sflag:$0x4] =	stream.indirect.gather [hbm4b:s3+s11], $0x20, s25, s11, $0xb8;
	[tilespmem:$0x1A400] =	vst v63  }
0xc9: {  	s25 =	sadd.s32 $0x1200, s17  }
0xca: {  	[tilespmem:s30], [sflag:$0x4] =	stream.indirect.gather [hbm4b:s3+s11], $0x20, s25, s11, $0xb8;
	[tilespmem:$0x1A400] =	vst v63  }
0xcb: {  	s25 =	sadd.s32 $0x1280, s17  }
0xcc: {  	[tilespmem:s23], [sflag:$0x4] =	stream.indirect.gather [hbm4b:s3+s11], $0x20, s25, s11, $0xb8;
	[tilespmem:$0x1A400] =	vst v63  }
0xcd: {  	p0 =	sne.s32 s13, $0x14000;
	s25 =	sadd.s32 $0x1300, s17  }
0xce: {  	[tilespmem:s12], [sflag:$0x4] =	stream.indirect.gather [hbm4b:s3+s11], $0x20, s25, s11, $0xb8;
	[tilespmem:$0x1A400] =	vst v63  }
.Ltmp0:
0xcf: {  	s17 =	sadd.s32 $0x1380, s17;
	s25 =	simm.s32 $0x19400;
	(pc) =	sbr.rel @p0 .LBB2_2-.Ltmp0, $4  }
0xd0: {  	[tilespmem:s25], [sflag:$0x4] =	stream.indirect.gather [hbm4b:s3+s11], $0x20, s17, s11, $0xb8;
	[tilespmem:$0x1A400] =	vst v63  }
0xd1: {  	_ =	swait.ge [sflag:s6], $0x5000  }
0xd2: {  	[sflag:s6] =	ssyncset.done $0x0;
	s25 =	rddreg [dreg:$0x5]  }
0xd3: {  	s13 =	sadd.s32 $0x2800, s13;
	[sflag:s6] =	ssyncadd.s32 $0xFFFFB000;
	s15 =	sadd.s32 s15, s25  }
0xd4: {  	[hbm4b:s15+s2] =	stream.linear.scatter [tilespmem:s1], [sflag:$0x7], $0x5000, $0x38;
	[tilespmem:$0x1A400] =	vst v63  }
0xd5: {  	_ =	swait.ge [sflag:s7], $0x5000  }
0xd6: {  	[sflag:s7] =	ssyncset.done $0x0  }
0xd7: {  	s13 =	rddreg [dreg:$0xb];
	[sflag:s7] =	ssyncadd.s32 $0xFFFFB000  }
0xd8: {  	[hbm4b:s13+s2] =	stream.linear.scatter [tilespmem:s18], [sflag:$0x8], $0x5000, $0x38;
	[tilespmem:$0x1A400] =	vst v63  }
0xd9: {  	_ =	swait.ge [sflag:s4], $0x5000  }
0xda: {  	[sflag:s4] =	ssyncset.done $0x0  }
0xdb: {  	[sflag:s4] =	ssyncadd.s32 $0xFFFFB000  }
0xdc: {  	_ =	swait.ge [sflag:s8], $0x5000  }
0xdd: {  	[sflag:s8] =	ssyncset.done $0x0  }
0xde: {  	[sflag:s8] =	ssyncadd.s32 $0xFFFFB000  }
0xdf: {  	_ =	swait.ge [sflag:s9], $0x5000  }
0xe0: {  	[sflag:s9] =	ssyncset.done $0x0  }
0xe1: {  	[sflag:s9] =	ssyncadd.s32 $0xFFFFB000  }
0xe2: {  	_ =	swait.ge [sflag:s10], $0x5000  }
0xe3: {  	s15 =	simm.s32 $0x7400;
	s17 =	simm.s32 $0x8400;
	s5 =	rddreg [dreg:$0xd]  }
0xe4: {  	s19 =	simm.s32 $0x9400;
	s26 =	rddreg [dreg:$0xc];
	s5 =	sadd.s32 $0x1, s5  }
0xe5: {  	s23 =	simm.s32 $0xA400;
	s16 =	simm.s32 $0xC400;
	p0 =	sne.s32 s5, s26  }
.Ltmp1:
0xe6: {  	s20 =	simm.s32 $0xD400;
	s24 =	simm.s32 $0xE400;
	(pc) =	sbr.rel @p0 .LBB2_1-.Ltmp1, $4  }
0xe7: {  	s25 =	simm.s32 $0xF400;
	s22 =	simm.s32 $0x12400;
	s14 =	simm.s32 $0x13400  }
0xe8: {  	s28 =	simm.s32 $0x16400;
	s29 =	simm.s32 $0x17400;
	[sflag:s10] =	ssyncset.done $0x0  }
0xe9: {  	s12 =	simm.s32 $0x18400;
	s30 =	simm.s32 $0x6400;
	[sflag:s10] =	ssyncadd.s32 $0xFFFFB000  }
0xea: {  	[dreg:$0xd] =	wrdreg s5;
	s26 =	simm.s32 $0x11400;
	s5 =	simm.s32 $0x14400  }
0xeb: {  	_ =	sfence.sel $0x180000  }
0xec: {  	[bflag:$0x0] =	sbarrier.arrive $0xFFFF  }
0xed: {  	_ =	strace $0x90000047  }
0xee: {  	s0 =	stileid.u32;
	[bflag:$0x2] =	sbarrier.arrive $0xFFFF  }
0xef: {  	p0 =	sne.s32 s0, $0x0;
	s0 =	rddreg [dreg:$0x2]  }
0xf0: {  	s0 =	sadd.s32 @!p0 $0x100000, s0  }
0xf1: {  	[sflag:s0] =	ssyncadd.tile.s32 @!p0 $0x1;
	_ =	shalt  }
.Lfunc_end2:
_tile_overlayer_lowered:
.L_overlay_start_2:
0xf2: {  	(tag) =	ssettag $0x2  }
0xf3: {  	s0 =	rddreg [dreg:$0x0];
	s2 =	stileid.u32  }
0xf4: {  	s1 =	rddreg [dreg:$0x1];
	p0 =	sne.s32 s2, $0x0  }
0xf5: {  	s3 =	rddreg [dreg:$0x2];
	[bflag:$0x3] =	sbarrier.arrive $0xFFFF;
	s2 =	simm.s32 @!p0 $0x1C09  }
0xf6: {  	[timem:s3], [sflag:s2] =	dma.local @!p0 [hbm:s0], s1  }
0xf7: {  	s0 =	simm.s32 @!p0 $0x9  }
0xf8: {  	_ =	swait.ge @!p0 [sflag:s0], s1  }
0xf9: {  	s1 =	ssub.s32 @!p0 $0x0, s1;
	[sflag:s0] =	ssyncset.done @!p0 $0x0  }
0xfa: {  	[sflag:s0] =	ssyncadd.s32 @!p0 s1  }
0xfb: {  	[bflag:$0x3] =	sbarrier.arrive $0xFFFF  }
0xfc: {  	_ =	shalt  }

// kernel: sparse-core-data-format-call.cloned.1.call-start
scs
called_computation_lowered:
.L_overlay_start_0:
0x0: {  	s2 =	sld [smem:$0x3FD9]  }
0x1: {  	s3 =	sld [smem:$0x3FFE];
	_ =	sdelay $0x1  }
0x2: {  	s1 =	srdreg.scid  }
0x3: {  	s0 =	sand.u32 $0x1, s1  }
0x4: {  	s18 =	sshll.u32 s0, $0xA;
	s2 =	sadd.s32 s3, s2  }
0x5: {  	s2 =	sadd.s32 s2, s18  }
0x6: {  	[smem:$0x3FC6] =	sst s2  }
0x7: {  	_ = 	snop  }
0x8: {  	s2 =	sld [smem:$0x3FD0];
	(tm) =	ssettm $0x1  }
0x9: {  	s19 =	sld [smem:$0x3FFB];
	_ =	sdelay $0x3  }
0xa: {  	_ =	strace s19  }
0xb: {  	s3 =	sld [smem:$0x3FFC];
	_ =	sdelay $0x3  }
0xc: {  	_ =	strace s3  }
0xd: {  	s3 =	sld [smem:$0x3FFD];
	_ =	sdelay $0x3  }
0xe: {  	_ =	strace s3  }
0xf: {  	_ =	strace $0x8FFFFFFF  }
0x10: {  	s20 =	sld [smem:$0x3FDB];
	_ =	sdelay $0x1  }
0x11: {  	s4 =	simm.s32 $_scs_section_size  }
0x12: {  	s5 =	simm.s32 $_size__tile_overlayer_lowered;
	s6 =	simm.s32 $_tile_overlayer_lowered  }
0x13: {  	s23 =	simm.s32 $0x1BFF;
	s22 =	sshll.u32 s6, $0x1;
	s3 =	sadd.s32 s4, s20  }
0x14: {  	s7 =	simm.s32 $0x0;
	s21 =	sshll.u32 s5, $0x1;
	s5 =	sadd.s32 s22, s3  }
0x15: {  	[timem:s7], [sflag:s23] =	dma.local [hbm:s5], s21  }
0x16: {  	_ =	swait.ge [sflag:s23], s21  }
0x17: {  	s4 =	ssub.s32 $0x0, s21;
	[sflag:s23] =	ssyncset.done $0x0  }
0x18: {  	[sflag:s23] =	ssyncadd.s32 s4;
	_ =	sdelay $0x1  }
0x19: {  	s24 =	simm.s32 $0x1B8B  }
0x1a: {  	_ =	swait.ge [sflag:s24], $0x1  }
0x1b: {  	[sflag:s24] =	ssyncset.done $0x0  }
0x1c: {  	s26 =	simm.s32 $0x1B8E;
	s25 =	sld [smem:$0x3FFE];
	[sflag:s24] =	ssyncadd.s32 $0xFFFFFFFF  }
0x1d: {  	s27 =	simm.s32 $execute0_lowered;
	[smem:$0x3FD2] =	sst s26  }
0x1e: {  	s5 =	sshll.u32 s27, $0x1;
	_ =	strace $0x80000049;
	[dreg:$0x1] =	wrdreg $0xFFFFFFFF  }
0x1f: {  	s28 =	simm.s32 $_size_execute0_lowered;
	s3 =	sadd.s32 s3, s5;
	[dreg:$0x0] =	wrdreg $0x0  }
0x20: {  	s5 =	sshll.u32 s28, $0x1;
	[dreg:$0x2] =	wrdreg s3  }
0x21: {  	[dreg:$0x3] =	wrdreg s5  }
0x22: {  	[dreg:$0x4] =	wrdreg $0xC0  }
0x23: {  	_ =	task [dreg:s7], $0x5FFFF  }
0x24: {  	[dreg:$0x1] =	wrdreg $0xFFFFFFFF  }
0x25: {  	[dreg:$0x0] =	wrdreg $0x60  }
0x26: {  	[dreg:$0x2] =	wrdreg s25  }
0x27: {  	[dreg:$0x3] =	wrdreg s2  }
0x28: {  	[dreg:$0x4] =	wrdreg $0x9  }
0x29: {  	_ =	task.clear_ibuf [dreg:s7], $0x5FFFF;
	_ =	strace $0x90000049  }
0x2a: {  	s29 =	simm.s32 $0x9;
	_ =	strace $0x8000004B  }
0x2b: {  	_ =	swait.ge [sflag:s29], $0x1  }
0x2c: {  	[sflag:s29] =	ssyncadd.s32 $0xFFFFFFFF  }
0x2d: {  	_ =	strace $0x9000004B  }
0x2e: {  	_ =	sfence  }
0x2f: {  	s30 =	sld [smem:$0x0];
	_ =	sdelay $0x2  }
0x30: {  	s31 =	sshll.u32 s1, $0xD;
	s1 =	sshrl.u32 s1, $0x2  }
0x31: {  	s3 =	sand.u32 $0x4000, s31;
	s1 =	sadd.s32 s1, s30  }
0x32: {  	s0 =	sor.u32 s3, s0;
	s1 =	sshll.u32 s1, $0x11  }
0x33: {  	s0 =	sor.u32 s1, s0  }
0x34: {  	s0 =	sadd.s32 $0x8F2B, s0  }
0x35: {  	[sflag:s0] =	ssyncadd.remote.s32 $0x1  }
0x36: {  	_ =	sfence.sel $0xFFFF  }
0x37: {  	[dreg:$0x0] =	wrdreg $0xFFFFFFFF;
	(pc) =	sbr.abs _section_cstart, $3  }
0x38: {  	[dreg:$0x1] =	wrdreg $0xFFFFFFFF  }
0x39: {  	_ =	task.clear_ibuf [dreg:s7], $0x2FFFF;
	_ =	strace $0x9FFFFFFF  }
0x3a: {  	(tm) =	ssettm $0x7FFFFFFF  }
0x3b: {  	_ =	shalt  }
tec
execute0_lowered:
.L_overlay_start_1:
0x0: {  	(tag) =	ssettag $0x1  }
0x1: {  	s0 =	srdreg.scid;
	s5 =	rddreg [dreg:$0x0]  }
0x2: {  	s2 =	rddreg [dreg:$0x1];
	s1 =	sshll.u32 s0, $0x4  }
0x3: {  	s9 =	simm.s32 $0x2;
	s0 =	stileid.u32;
	s1 =	sand.u32 $0x10, s1  }
0x4: {  	s15 =	simm.s32 $0x0;
	s11 =	simm.s32 $0x400;
	s4 =	sor.u32 s0, s1  }
0x5: {  	s12 =	simm.s32 $0x8000;
	s16 =	simm.s32 $0x0;
	s3 =	sshll.u32 s4, $0x7  }
0x6: {  	s13 =	simm.s32 $0x0;
	s1 =	rddreg [dreg:$0x2];
	s6 =	ssub.s32 $0x1000, s3  }
0x7: {  	_ =	strace $0x8000004A;
	s8 =	sshll.u32 s4, $0xB;
	s7 =	sand.u32 $0xF80, s6  }
0x8: {  	s4 =	simm.s32 $0x1;
	p0 =	sne.s32 s7, $0x0;
	s7 =	simm.s32 $0x1  }
.Ltmp0:
0x9: {  	s6 =	sshrl.u32 s6, $0xC;
	s7 =	simm.s32 @!p0 $0x0;
	(pc) =	sbr.rel .LBB1_1-.Ltmp0, $4  }
0xa: {  	s14 =	simm.s32 $0x0;
	[sflag:s4] =	ssyncpa.u1 $0x0;
	s6 =	sadd.s32 s7, s6  }
0xb: {  	s10 =	sadd.s32 s8, s5;
	[sflag:s9] =	ssyncpa.u1 $0x0;
	s5 =	smul.u32 $0x32, s6  }
0xc: {  	s8 =	sadd.s32 $0x20A00, s10;
	s9 =	sadd.s32 $0x30A00, s10;
	p0 =	por $0x0, $0x0  }
0xd: {  	s7 =	sadd.s32 $0x10A00, s10;
	s6 =	sadd.s32 $0xA00, s10;
	s10 =	sor.u32 $0x1, s5  }
.LBB1_7:
0xe: {  	s17 =	sadd.s32 $0x4, s13  }
0xf: {  	p2 =	sgt.s32 s17, $0xC7  }
0x10: {  	s17 =	simm.s32 @p2 $0x0;
	p2 =	sne.s32 s14, s10  }
.Ltmp1:
0x11: {  	p1 =	slt.u32 s14, $0x2;
	(pc) =	sbr.rel @!p2 .LBB1_8-.Ltmp1, $4  }
0x12: {  	s15 =	simm.s32 @!p1 $0x2  }
0x13: {  	s18 =	sadd.s32 $0x1, s14;
	s16 =	smov.u32 s13;
	_ =	swait.ge @!p1 [sflag:s15], $0x4000  }
0x14: {  	p0 =	por !p0, !p0;
	s14 =	smov.u32 s18;
	[sflag:s15] =	ssyncset.done @!p1 $0x0  }
0x15: {  	s13 =	smov.u32 s17;
	[sflag:s15] =	ssyncadd.s32 @!p1 $0xFFFFC000;
	s15 =	smov.u32 s3  }
.LBB1_1:
0x16: {  	p1 =	sge.u32 s14, s5  }
0x17: {  	s17 =	sxor.u32 @!p1 $0xFFFFFFFF, s14  }
0x18: {  	s18 =	sshll.u32 @!p1 s13, $0x10;
	s20 =	simm.s32 @!p1 $0x20;
	s17 =	sshll.u32 @!p1 s17, $0xE  }
0x19: {  	s21 =	simm.s32 @!p1 $0x80;
	s19 =	sadd.s32 @!p1 s18, s6;
	s17 =	sand.u32 @!p1 $0x4000, s17  }
0x1a: {  	[tilespmem:s17], [sflag:$0x1] =	stream.strided.gather @!p1 [hbm4b:s19+s20], $0x1000, s21, s20, $0x38;
	[tilespmem:$0x10100] =	vst v63  }
0x1b: {  	s19 =	sadd.s32 @!p1 s18, s7;
	s22 =	sor.u32 @!p1 $0x1000, s17  }
0x1c: {  	[tilespmem:s22], [sflag:$0x1] =	stream.strided.gather @!p1 [hbm4b:s19+s20], $0x1000, s21, s20, $0x38;
	[tilespmem:$0x10100] =	vst v63  }
0x1d: {  	s19 =	sadd.s32 @!p1 s18, s8;
	s22 =	sor.u32 @!p1 $0x2000, s17  }
0x1e: {  	[tilespmem:s22], [sflag:$0x1] =	stream.strided.gather @!p1 [hbm4b:s19+s20], $0x1000, s21, s20, $0x38;
	[tilespmem:$0x10100] =	vst v63  }
0x1f: {  	s31 =	sadd.s32 $0xFFFFFFFF, s14;
	s18 =	sadd.s32 @!p1 s18, s9;
	s17 =	sor.u32 @!p1 $0x3000, s17  }
0x20: {  	[tilespmem:s17], [sflag:$0x1] =	stream.strided.gather @!p1 [hbm4b:s18+s20], $0x1000, s21, s20, $0x38;
	[tilespmem:$0x10100] =	vst v63  }
0x21: {  	p1 =	sge.u32 s31, s5  }
.Ltmp2:
0x22: {  	_ = 	snop;
	(pc) =	sbr.rel @p1 .LBB1_7-.Ltmp2, $1  }
0x23: {  	_ =	sdelay $0x3  }
0x24: {  	s18 =	simm.s32 $0x1;
	s19 =	sand.u32 $0x1, s14  }
0x25: {  	_ =	swait.ge [sflag:s4], $0x4000;
	s18 =	simm.s32 @!p0 $0x0;
	s20 =	smul.u32 $0x10200, s19  }
0x26: {  	[sflag:s4] =	ssyncset.done $0x0;
	s17 =	smul.u32 $0x10200, s18  }
0x27: {  	s18 =	sshll.u32 s18, $0xE;
	[sflag:s4] =	ssyncadd.s32 $0xFFFFC000  }
0x28: {  	s19 =	sor.u32 $0x10, s18;
	s31 =	sshrl.u32 s20, $0x2;
	s17 =	sshrl.u32 s17, $0x2  }
0x29: {  	s20 =	simm.s32 $0x0;
	s18 =	sor.u32 $0x8000, s31;
	s17 =	sor.u32 $0x8000, s17  }
.LBB1_3:
0x2a: {  	v1 =	vld [tilespmem:s19+$0x0]  }
0x2b: {  	v0 =	vld [tilespmem:s19+$0xFFFFFFF0];
	_ =	sdelay $0x2  }
0x2c: {  	s23 =	sadd.s32 $0x0, s17  }
0x2d: {  	s21 =	simm.s32 $0x4;
	s22 =	sadd.s32 $0x20, s19;
	[tilespmem:s23+$0x810 ss:$0x81] =	vst.msk $0xffff, v1  }
.LBB1_4:
0x2e: {  	v1 =	vld [tilespmem:s22+$0x0];
	p1 =	sne.s32 s21, $0x1FC;
	[tilespmem:s23+$0x0 ss:$0x81] =	vst.msk $0xffff, v0;
	s23 =	smov.u32 s21;
	s21 =	sadd.s32 $0x4, s21  }
.Ltmp3:
0x2f: {  	v0 =	vld [tilespmem:s22+$0xFFFFFFF0];
	(pc) =	sbr.rel @p1 .LBB1_4-.Ltmp3, $4  }
0x30: {  	_ = 	snop  }
0x31: {  	s23 =	sshra.s32 s23, $0x2  }
0x32: {  	s23 =	sadd.s32 s23, s17  }
0x33: {  	s22 =	sadd.s32 $0x20, s22;
	[tilespmem:s23+$0x810 ss:$0x81] =	vst.msk $0xffff, v1  }
0x34: {  	s20 =	sadd.s32 $0x1, s20  }
0x35: {  	p1 =	sne.s32 s20, $0x4  }
.Ltmp4:
0x36: {  	_ = 	snop;
	(pc) =	sbr.rel @p1 .LBB1_3-.Ltmp4, $2  }
0x37: {  	_ =	sdelay $0x2  }
0x38: {  	[tilespmem:s23+$0x0 ss:$0x81] =	vst.msk $0xffff, v0;
	s17 =	sadd.s32 $0x1020, s17;
	s19 =	sadd.s32 $0x1000, s19  }
.Ltmp5:
0x39: {  	(pc) =	sbr.rel .LBB1_7-.Ltmp5, $4  }
0x3a: {  	s16 =	sshll.u32 s16, $0xE  }
0x3b: {  	s16 =	sadd.s32 s2, s16  }
0x3c: {  	s15 =	sadd.s32 s15, s16  }
0x3d: {  	[hbm4b:s15+s11] =	stream.strided.scatter [tilespmem:s18], [sflag:$0x2], $0x4000, s12, s11, $0x20;
	[tilespmem:$0x10100] =	vst v63  }
.LBB1_8:
0x3e: {  	_ =	sfence.sel $0x180000  }
0x3f: {  	s2 =	simm.s32 $0x1;
	[bflag:$0x0] =	sbarrier.arrive $0xFFFF  }
0x40: {  	s31 =	simm.s32 $0x2;
	[sflag:s2] =	ssyncpa.u1 $0x1  }
0x41: {  	[sflag:s31] =	ssyncpa.u1 $0x1  }
0x42: {  	p0 =	sne.s32 s0, $0x0;
	_ =	strace $0x9000004A  }
0x43: {  	s0 =	sadd.s32 @!p0 $0x100000, s1;
	[bflag:$0x2] =	sbarrier.arrive $0xFFFF  }
0x44: {  	[sflag:s0] =	ssyncadd.tile.s32 @!p0 $0x1;
	_ =	shalt  }
.Lfunc_end1:
_tile_overlayer_lowered:
.L_overlay_start_2:
0x45: {  	(tag) =	ssettag $0x2  }
0x46: {  	s0 =	rddreg [dreg:$0x0];
	s2 =	stileid.u32  }
0x47: {  	s1 =	rddreg [dreg:$0x1];
	p0 =	sne.s32 s2, $0x0  }
0x48: {  	s3 =	rddreg [dreg:$0x2];
	[bflag:$0x3] =	sbarrier.arrive $0xFFFF;
	s2 =	simm.s32 @!p0 $0x1C01  }
0x49: {  	[timem:s3], [sflag:s2] =	dma.local @!p0 [hbm:s0], s1  }
0x4a: {  	s0 =	simm.s32 @!p0 $0x1  }
0x4b: {  	_ =	swait.ge @!p0 [sflag:s0], s1  }
0x4c: {  	s1 =	ssub.s32 @!p0 $0x0, s1;
	[sflag:s0] =	ssyncset.done @!p0 $0x0  }
0x4d: {  	[sflag:s0] =	ssyncadd.s32 @!p0 s1  }
0x4e: {  	[bflag:$0x3] =	sbarrier.arrive $0xFFFF  }
0x4f: {  	_ =	shalt  }

</sc_bundles>
